<compile_context>
chip_gen: v7x
topology: tpu7x:2x2x1
jax: 0.10.2.dev20260603
libtpu: 0.0.44.dev20260713+nightly
codegen_flags: <defaults>
</compile_context>

<pallas_src>
import functools

import jax
import jax.numpy as jnp
from jax import lax
from jax.experimental import pallas as pl
from jax.experimental.pallas import tpu as pltpu
from jax.experimental.pallas import tpu_sc as plsc

N = 262144
EPS = 1e-7
NW = 32
PA = N // NW
ITERS = PA // 16

TC_EIGHTHS = 8

LN2 = 0.6931471805599453
SQRT2 = 1.4142135623730951
_LOG_COEF = (
    -5.4488729807735065e-06,
    0.9998871159844557,
    -0.49911010866955874,
    0.33800562352226765,
    -0.2740800450170098,
    0.17224595127722797,
)


def _ln(q):
    bits = lax.bitcast_convert_type(q, jnp.int32)
    e = (bits >> 23) - 127
    m = lax.bitcast_convert_type((bits & 0x007FFFFF) | 0x3F800000, jnp.float32)
    big = m > SQRT2
    m = jnp.where(big, m * 0.5, m)
    ef = e.astype(jnp.float32) + jnp.where(big, 1.0, 0.0)
    u = m - 1.0
    p = jnp.full_like(q, _LOG_COEF[5])
    for c in _LOG_COEF[4::-1]:
        p = p * u + c
    return p + ef * LN2


def _sc_cls(ts_hbm, os_hbm, out_hbm, ts_v, os_v, acc_v, s0, s1):
    wid = lax.axis_index("s") * 2 + lax.axis_index("c")
    abase = wid * PA

    c0 = pltpu.async_copy(ts_hbm.at[pl.ds(abase, PA)], ts_v, s0)
    c1 = pltpu.async_copy(os_hbm.at[pl.ds(abase, PA)], os_v, s1)
    c0.wait()
    c1.wait()

    def one(a0):
        t = ts_v[pl.ds(a0, 16)]
        p = os_v[pl.ds(a0, 16)]
        valid = t >= 0.0
        pos = t > 0.0
        q = jnp.where(pos, p, 1.0 - p)
        bce = -_ln(q)
        return (jnp.where(valid, bce, 0.0),
                jnp.where(valid, 1.0, 0.0),
                jnp.where(pos, 1.0, 0.0))

    def body(i, carry):
        acc_bce, acc_nv, acc_np = carry
        a0 = pl.multiple_of(i * 64, 64)
        b0, v0, p0 = one(a0)
        b1, v1, p1 = one(a0 + 16)
        b2, v2, p2 = one(a0 + 32)
        b3, v3, p3 = one(a0 + 48)
        return (acc_bce + ((b0 + b1) + (b2 + b3)),
                acc_nv + ((v0 + v1) + (v2 + v3)),
                acc_np + ((p0 + p1) + (p2 + p3)))

    z = jnp.zeros((16,), jnp.float32)
    acc_bce, acc_nv, acc_np = lax.fori_loop(0, ITERS // 4, body, (z, z, z))

    acc_v[pl.ds(0, 16)] = acc_bce
    acc_v[pl.ds(16, 16)] = acc_nv
    acc_v[pl.ds(32, 16)] = acc_np
    pltpu.sync_copy(acc_v, out_hbm.at[wid])


_sc_call = functools.partial(
    pl.kernel,
    out_type=jax.ShapeDtypeStruct((NW, 48), jnp.float32),
    mesh=plsc.VectorSubcoreMesh(core_axis_name="c", subcore_axis_name="s"),
    scratch_types=[
        pltpu.VMEM((PA,), jnp.float32),
        pltpu.VMEM((PA,), jnp.float32),
        pltpu.VMEM((48,), jnp.float32),
        pltpu.SemaphoreType.DMA,
        pltpu.SemaphoreType.DMA,
    ],
    compiler_params=pltpu.CompilerParams(needs_layout_passes=False),
)(_sc_cls)



_GRID = TC_EIGHTHS
_RB = (N // 128) // 8
_DRB = 4 * _RB


def _tc_reg_body(ts_hbm, td_hbm, od_hbm, out_ref, ts_b, td_b, od_b, sem):
    def start(k, slot):
        pltpu.make_async_copy(
            ts_hbm.at[pl.ds(k * _RB, _RB), :], ts_b.at[slot], sem.at[slot, 0]
        ).start()
        pltpu.make_async_copy(
            td_hbm.at[pl.ds(k * _DRB, _DRB), :], td_b.at[slot], sem.at[slot, 1]
        ).start()
        pltpu.make_async_copy(
            od_hbm.at[pl.ds(k * _DRB, _DRB), :], od_b.at[slot], sem.at[slot, 2]
        ).start()

    def wait(k, slot):
        pltpu.make_async_copy(
            ts_hbm.at[pl.ds(k * _RB, _RB), :], ts_b.at[slot], sem.at[slot, 0]
        ).wait()
        pltpu.make_async_copy(
            td_hbm.at[pl.ds(k * _DRB, _DRB), :], td_b.at[slot], sem.at[slot, 1]
        ).wait()
        pltpu.make_async_copy(
            od_hbm.at[pl.ds(k * _DRB, _DRB), :], od_b.at[slot], sem.at[slot, 2]
        ).wait()

    start(0, 0)

    def body(k, acc):
        slot = lax.rem(k, 2)
        nslot = lax.rem(k + 1, 2)

        @pl.when(k + 1 < _GRID)
        def _pf():
            start(k + 1, nslot)

        wait(k, slot)
        d = od_b[slot] - td_b[slot]
        ad = jnp.abs(d)
        m = jnp.minimum(ad, 1.0)
        f = m * (ad - 0.5 * m)
        g = jnp.sum(f.reshape(_RB, 4, 128), axis=1)
        pos = (ts_b[slot] > 0.0).astype(jnp.float32)
        return acc + jnp.sum(pos * g)

    out_ref[0, 0] = lax.fori_loop(0, _GRID, body, 0.0)


def _combine_body(sc_ref, reg_ref, o_ref):
    x = sc_ref[...]
    bce = jnp.sum(x[:, 0:16])
    nv = jnp.sum(x[:, 16:32])
    npos = jnp.sum(x[:, 32:48])
    reg = reg_ref[0, 0]
    o_ref[0, 0] = bce / jnp.maximum(nv, 1.0) + 10.0 * reg / jnp.maximum(EPS, npos)


def kernel(target_deltas, target_scores, output_deltas, output_scores):
    ts = target_scores.reshape(N)
    osc = output_scores.reshape(N)
    ts2 = target_scores.reshape(N // 128, 128)
    td8 = target_deltas.reshape(N // 128, 128, 4).transpose(0, 2, 1).reshape(N // 32, 128)
    od8 = output_deltas.reshape(N // 128, 128, 4).transpose(0, 2, 1).reshape(N // 32, 128)

    reg_tc = pl.pallas_call(
        _tc_reg_body,
        in_specs=[
            pl.BlockSpec(memory_space=pltpu.MemorySpace.HBM),
            pl.BlockSpec(memory_space=pltpu.MemorySpace.HBM),
            pl.BlockSpec(memory_space=pltpu.MemorySpace.HBM),
        ],
        out_specs=pl.BlockSpec(memory_space=pltpu.SMEM),
        out_shape=jax.ShapeDtypeStruct((1, 1), jnp.float32),
        scratch_shapes=[
            pltpu.VMEM((2, _RB, 128), jnp.float32),
            pltpu.VMEM((2, _DRB, 128), jnp.float32),
            pltpu.VMEM((2, _DRB, 128), jnp.float32),
            pltpu.SemaphoreType.DMA((2, 3)),
        ],
    )(ts2, td8, od8)

    sc_partials = _sc_call(ts, osc)

    out = pl.pallas_call(
        _combine_body,
        out_shape=jax.ShapeDtypeStruct((1, 1), jnp.float32),
        in_specs=[
            pl.BlockSpec(memory_space=pltpu.VMEM),
            pl.BlockSpec(memory_space=pltpu.SMEM),
        ],
        out_specs=pl.BlockSpec(memory_space=pltpu.SMEM),
    )(sc_partials, reg_tc)
    return out[0, 0]

# --- scband reference (transcript-rebuilt; emitter-appended) ---
"""Pipeline reference for scband-rpn-66408784331221 (READ-ONLY COPY).

The authoritative reference and input builder live on the scoring server;
editing this copy changes nothing except your own understanding.
"""

import jax, jax.numpy as jnp
import numpy as np

N = 262144
EPS = 1e-7


def setup_inputs(seed: int = 0) -> dict:
    key = jax.random.key(seed)
    k1, k2, k3, k4 = jax.random.split(key, 4)
    target_deltas = jax.random.normal(k1, (1, N, 4), dtype=jnp.float32)
    # RPN targets: -1 = ignore, 0 = negative, 1 = positive
    target_scores = jax.random.randint(k2, (1, N), -1, 2).astype(jnp.float32)
    output_deltas = jax.random.normal(k3, (1, N, 4), dtype=jnp.float32)
    # classifier outputs are probabilities in (0, 1)
    output_scores = jax.random.uniform(k4, (1, N), dtype=jnp.float32, minval=EPS, maxval=1.0 - EPS)
    return {
        "target_deltas": target_deltas,
        "target_scores": target_scores,
        "output_deltas": output_deltas,
        "output_scores": output_scores,
    }


def _smooth_l1(output, target):
    diff = output - target
    ad = jnp.abs(diff)
    per_coord = jnp.where(ad < 1.0, 0.5 * ad * ad, ad - 0.5)
    # anchored=True in keras_rcnn: sum over the box-coordinate axis
    return jnp.sum(per_coord, axis=-1)


def _rpn_loss(target_deltas, target_scores, output_deltas, output_scores):
    valid = jnp.not_equal(target_scores, -1.0)
    vf = valid.astype(jnp.float32)

    # classification loss: BCE over anchors with target != -1 (gather_nd -> masked mean)
    p = jnp.clip(jnp.reshape(output_scores, (1, -1)), EPS, 1.0 - EPS)
    t = target_scores
    bce = -(t * jnp.log(p) + (1.0 - t) * jnp.log(1.0 - p))
    bce = jnp.where(valid, bce, 0.0)
    n_valid = jnp.maximum(jnp.sum(vf), 1.0)
    cls_loss = jnp.sum(bce) / n_valid

    # regression loss: smooth-L1 on positive anchors only
    od = jnp.reshape(output_deltas, (1, -1, 4))
    a_y = _smooth_l1(od, target_deltas)
    p_star = jnp.where(jnp.logical_and(valid, target_scores > 0.0), 1.0, 0.0)
    reg_loss = 10.0 * (jnp.sum(p_star * a_y) / jnp.maximum(EPS, jnp.sum(p_star)))

    return cls_loss + reg_loss


def reference(target_deltas, target_scores, output_deltas, output_scores):
    return _rpn_loss(target_deltas, target_scores, output_deltas, output_scores)

if __name__ == "__main__":
    import jax
    _d = setup_inputs()
    print(jax.jit(kernel)(*tuple(_d.values())))

</pallas_src>

<mosaic_0001>
#map = affine_map<(d0, d1) -> (0)>
#map1 = affine_map<(d0, d1) -> (0, 0)>
module attributes {stable_mosaic.version = 14 : i64} {
  func.func @_sc_cls(%arg0: i32, %arg1: i32, %arg2: memref<262144xf32, #tpu.memory_space<hbm>>, %arg3: memref<262144xf32, #tpu.memory_space<hbm>>, %arg4: memref<32x48xf32, #tpu.memory_space<hbm>>, %arg5: memref<8192xf32, #tpu.memory_space<vmem>>, %arg6: memref<8192xf32, #tpu.memory_space<vmem>>, %arg7: memref<48xf32, #tpu.memory_space<vmem>>, %arg8: memref<!tpu.dma_semaphore, #tpu.memory_space<semaphore_mem>>, %arg9: memref<!tpu.dma_semaphore, #tpu.memory_space<semaphore_mem>>) attributes {dimension_semantics = [#tpu.dimension_semantics<core_parallel>, #tpu.dimension_semantics<subcore_parallel>], iteration_bounds = array<i64: 2, 16>, scalar_prefetch = 0 : i64, scratch_operands = 5 : i64, tpu.core_type = #tpu.core_type<sc_vector_subcore>, window_params = [{transform_indices = #map}, {transform_indices = #map}, {transform_indices = #map1}]} {
    %mul3A = arith.constant 2 : i32
    %mul3A_0 = arith.muli %arg1, %mul3A : i32
    %add3A = arith.addi %mul3A_0, %arg0 : i32
    %mul3A_1 = arith.constant 8192 : i32
    %mul3A_2 = arith.muli %add3A, %mul3A_1 : i32
    %dma_start3A = tpu.memref_slice %arg2[%mul3A_2] : memref<262144xf32, #tpu.memory_space<hbm>> -> memref<8192xf32, #tpu.memory_space<hbm>>
    %dma_start3A_3 = tpu.memref_slice %arg2[%mul3A_2] : memref<262144xf32, #tpu.memory_space<hbm>> -> memref<8192xf32, #tpu.memory_space<hbm>>
    tpu.enqueue_dma source(%dma_start3A_3 : memref<8192xf32, #tpu.memory_space<hbm>>) target(%arg5 : memref<8192xf32, #tpu.memory_space<vmem>>) target_semaphore(%arg8 : memref<!tpu.dma_semaphore, #tpu.memory_space<semaphore_mem>>)
    %dma_start3A_4 = tpu.memref_slice %arg3[%mul3A_2] : memref<262144xf32, #tpu.memory_space<hbm>> -> memref<8192xf32, #tpu.memory_space<hbm>>
    %dma_start3A_5 = tpu.memref_slice %arg3[%mul3A_2] : memref<262144xf32, #tpu.memory_space<hbm>> -> memref<8192xf32, #tpu.memory_space<hbm>>
    tpu.enqueue_dma source(%dma_start3A_5 : memref<8192xf32, #tpu.memory_space<hbm>>) target(%arg6 : memref<8192xf32, #tpu.memory_space<vmem>>) target_semaphore(%arg9 : memref<!tpu.dma_semaphore, #tpu.memory_space<semaphore_mem>>)
    %dma_wait3A = tpu.memref_slice %arg2[%mul3A_2] : memref<262144xf32, #tpu.memory_space<hbm>> -> memref<8192xf32, #tpu.memory_space<hbm>>
    %dma_wait3A_6 = tpu.memref_slice %arg2[%mul3A_2] : memref<262144xf32, #tpu.memory_space<hbm>> -> memref<8192xf32, #tpu.memory_space<hbm>>
    tpu.wait_dma2 semaphore(%arg8 : memref<!tpu.dma_semaphore, #tpu.memory_space<semaphore_mem>>) src(%dma_wait3A_6 : memref<8192xf32, #tpu.memory_space<hbm>>) dst(%arg5 : memref<8192xf32, #tpu.memory_space<vmem>>)
    %dma_wait3A_7 = tpu.memref_slice %arg3[%mul3A_2] : memref<262144xf32, #tpu.memory_space<hbm>> -> memref<8192xf32, #tpu.memory_space<hbm>>
    %dma_wait3A_8 = tpu.memref_slice %arg3[%mul3A_2] : memref<262144xf32, #tpu.memory_space<hbm>> -> memref<8192xf32, #tpu.memory_space<hbm>>
    tpu.wait_dma2 semaphore(%arg9 : memref<!tpu.dma_semaphore, #tpu.memory_space<semaphore_mem>>) src(%dma_wait3A_8 : memref<8192xf32, #tpu.memory_space<hbm>>) dst(%arg6 : memref<8192xf32, #tpu.memory_space<vmem>>)
    %broadcast_in_dim3A = arith.constant 0.000000e+00 : f32
    %broadcast_in_dim3A_9 = vector.broadcast %broadcast_in_dim3A : f32 to vector<16xf32>
    %scan3A = arith.constant 0 : i32
    %scan3A_10 = arith.constant 128 : i32
    %scan3A_11 = arith.addi %scan3A, %scan3A_10 : i32
    %scan3A_12 = arith.constant 1 : i32
    %scan3A_13:3 = scf.for %scan3A_20 = %scan3A to %scan3A_11 step %scan3A_12 iter_args(%scan3A_21 = %broadcast_in_dim3A_9, %scan3A_22 = %broadcast_in_dim3A_9, %scan3A_23 = %broadcast_in_dim3A_9) -> (vector<16xf32>, vector<16xf32>, vector<16xf32>)  : i32 {
      %mul3A_24 = arith.constant 64 : i32
      %mul3A_25 = arith.muli %scan3A_20, %mul3A_24 : i32
      %multiple_of3A = tpu.assume_multiple %mul3A_25, 64 : i32
      %get3A = arith.index_cast %multiple_of3A : i32 to index
      %get3A_26 = tpu.vector_load %arg5[%get3A] {strides = array<i32>} : memref<8192xf32, #tpu.memory_space<vmem>>, vector<16xf32>,
      %get3A_27 = arith.index_cast %multiple_of3A : i32 to index
      %get3A_28 = tpu.vector_load %arg6[%get3A_27] {strides = array<i32>} : memref<8192xf32, #tpu.memory_space<vmem>>, vector<16xf32>,
      %ge3A = arith.constant 0.000000e+00 : f32
      %ge3A_29 = vector.broadcast %ge3A : f32 to vector<16xf32>
      %ge3A_30 = arith.cmpf oge, %get3A_26, %ge3A_29 : vector<16xf32>
      %gt3A = arith.constant 0.000000e+00 : f32
      %gt3A_31 = vector.broadcast %gt3A : f32 to vector<16xf32>
      %gt3A_32 = arith.cmpf ogt, %get3A_26, %gt3A_31 : vector<16xf32>
      %sub3A = arith.constant 1.000000e+00 : f32
      %sub3A_33 = vector.broadcast %sub3A : f32 to vector<16xf32>
      %sub3A_34 = arith.subf %sub3A_33, %get3A_28 : vector<16xf32>
      %select_n3A = arith.select %gt3A_32, %get3A_28, %sub3A_34 : vector<16xi1>, vector<16xf32>
      %bitcast_convert_type3A = tpu.bitcast %select_n3A : vector<16xf32> -> vector<16xi32>
      %shift_right_arithmetic3A = arith.constant 23 : i32
      %shift_right_arithmetic3A_35 = vector.broadcast %shift_right_arithmetic3A : i32 to vector<16xi32>
      %shift_right_arithmetic3A_36 = arith.shrsi %bitcast_convert_type3A, %shift_right_arithmetic3A_35 : vector<16xi32>
      %sub3A_37 = arith.constant 127 : i32
      %sub3A_38 = vector.broadcast %sub3A_37 : i32 to vector<16xi32>
      %sub3A_39 = arith.subi %shift_right_arithmetic3A_36, %sub3A_38 : vector<16xi32>
      %and3A = arith.constant 8388607 : i32
      %and3A_40 = vector.broadcast %and3A : i32 to vector<16xi32>
      %and3A_41 = arith.andi %bitcast_convert_type3A, %and3A_40 : vector<16xi32>
      %or3A = arith.constant 1065353216 : i32
      %or3A_42 = vector.broadcast %or3A : i32 to vector<16xi32>
      %or3A_43 = arith.ori %and3A_41, %or3A_42 : vector<16xi32>
      %bitcast_convert_type3A_44 = tpu.bitcast %or3A_43 : vector<16xi32> -> vector<16xf32>
      %gt3A_45 = arith.constant 1.41421354 : f32
      %gt3A_46 = vector.broadcast %gt3A_45 : f32 to vector<16xf32>
      %gt3A_47 = arith.cmpf ogt, %bitcast_convert_type3A_44, %gt3A_46 : vector<16xf32>
      %mul3A_48 = arith.constant 5.000000e-01 : f32
      %mul3A_49 = vector.broadcast %mul3A_48 : f32 to vector<16xf32>
      %mul3A_50 = arith.mulf %bitcast_convert_type3A_44, %mul3A_49 : vector<16xf32>
      %select_n3A_51 = arith.select %gt3A_47, %mul3A_50, %bitcast_convert_type3A_44 : vector<16xi1>, vector<16xf32>
      %convert_element_type3A = arith.sitofp %sub3A_39 : vector<16xi32> to vector<16xf32>
      %jit3A = arith.constant 1.000000e+00 : f32
      %jit3A_52 = arith.constant 0.000000e+00 : f32
      %broadcast_in_dim3A_53 = vector.broadcast %jit3A : f32 to vector<16xf32>
      %broadcast_in_dim3A_54 = vector.broadcast %jit3A_52 : f32 to vector<16xf32>
      %select_n3A_55 = arith.select %gt3A_47, %broadcast_in_dim3A_53, %broadcast_in_dim3A_54 : vector<16xi1>, vector<16xf32>
      %add3A_56 = arith.addf %convert_element_type3A, %select_n3A_55 : vector<16xf32>
      %sub3A_57 = arith.constant 1.000000e+00 : f32
      %sub3A_58 = vector.broadcast %sub3A_57 : f32 to vector<16xf32>
      %sub3A_59 = arith.subf %select_n3A_51, %sub3A_58 : vector<16xf32>
      %broadcast_in_dim3A_60 = arith.constant 0.17224595 : f32
      %broadcast_in_dim3A_61 = vector.broadcast %broadcast_in_dim3A_60 : f32 to vector<16xf32>
      %mul3A_62 = arith.mulf %broadcast_in_dim3A_61, %sub3A_59 : vector<16xf32>
      %add3A_63 = arith.constant -0.274080038 : f32
      %add3A_64 = vector.broadcast %add3A_63 : f32 to vector<16xf32>
      %add3A_65 = arith.addf %mul3A_62, %add3A_64 : vector<16xf32>
      %mul3A_66 = arith.mulf %add3A_65, %sub3A_59 : vector<16xf32>
      %add3A_67 = arith.constant 0.338005632 : f32
      %add3A_68 = vector.broadcast %add3A_67 : f32 to vector<16xf32>
      %add3A_69 = arith.addf %mul3A_66, %add3A_68 : vector<16xf32>
      %mul3A_70 = arith.mulf %add3A_69, %sub3A_59 : vector<16xf32>
      %add3A_71 = arith.constant -0.499110103 : f32
      %add3A_72 = vector.broadcast %add3A_71 : f32 to vector<16xf32>
      %add3A_73 = arith.addf %mul3A_70, %add3A_72 : vector<16xf32>
      %mul3A_74 = arith.mulf %add3A_73, %sub3A_59 : vector<16xf32>
      %add3A_75 = arith.constant 0.999887108 : f32
      %add3A_76 = vector.broadcast %add3A_75 : f32 to vector<16xf32>
      %add3A_77 = arith.addf %mul3A_74, %add3A_76 : vector<16xf32>
      %mul3A_78 = arith.mulf %add3A_77, %sub3A_59 : vector<16xf32>
      %add3A_79 = arith.constant -5.4488728E-6 : f32
      %add3A_80 = vector.broadcast %add3A_79 : f32 to vector<16xf32>
      %add3A_81 = arith.addf %mul3A_78, %add3A_80 : vector<16xf32>
      %mul3A_82 = arith.constant 0.693147182 : f32
      %mul3A_83 = vector.broadcast %mul3A_82 : f32 to vector<16xf32>
      %mul3A_84 = arith.mulf %add3A_56, %mul3A_83 : vector<16xf32>
      %add3A_85 = arith.addf %add3A_81, %mul3A_84 : vector<16xf32>
      %neg3A = arith.constant 0.000000e+00 : f32
      %neg3A_86 = vector.broadcast %neg3A : f32 to vector<16xf32>
      %neg3A_87 = arith.subf %neg3A_86, %add3A_85 : vector<16xf32>
      %jit3A_88 = arith.constant 0.000000e+00 : f32
      %broadcast_in_dim3A_89 = vector.broadcast %jit3A_88 : f32 to vector<16xf32>
      %select_n3A_90 = arith.select %ge3A_30, %neg3A_87, %broadcast_in_dim3A_89 : vector<16xi1>, vector<16xf32>
      %jit3A_91 = arith.constant 1.000000e+00 : f32
      %jit3A_92 = arith.constant 0.000000e+00 : f32
      %broadcast_in_dim3A_93 = vector.broadcast %jit3A_91 : f32 to vector<16xf32>
      %broadcast_in_dim3A_94 = vector.broadcast %jit3A_92 : f32 to vector<16xf32>
      %select_n3A_95 = arith.select %ge3A_30, %broadcast_in_dim3A_93, %broadcast_in_dim3A_94 : vector<16xi1>, vector<16xf32>
      %jit3A_96 = arith.constant 1.000000e+00 : f32
      %jit3A_97 = arith.constant 0.000000e+00 : f32
      %broadcast_in_dim3A_98 = vector.broadcast %jit3A_96 : f32 to vector<16xf32>
      %broadcast_in_dim3A_99 = vector.broadcast %jit3A_97 : f32 to vector<16xf32>
      %select_n3A_100 = arith.select %gt3A_32, %broadcast_in_dim3A_98, %broadcast_in_dim3A_99 : vector<16xi1>, vector<16xf32>
      %add3A_101 = arith.constant 16 : i32
      %add3A_102 = arith.addi %multiple_of3A, %add3A_101 : i32
      %get3A_103 = arith.index_cast %add3A_102 : i32 to index
      %get3A_104 = tpu.vector_load %arg5[%get3A_103] {strides = array<i32>} : memref<8192xf32, #tpu.memory_space<vmem>>, vector<16xf32>,
      %get3A_105 = arith.index_cast %add3A_102 : i32 to index
      %get3A_106 = tpu.vector_load %arg6[%get3A_105] {strides = array<i32>} : memref<8192xf32, #tpu.memory_space<vmem>>, vector<16xf32>,
      %ge3A_107 = arith.constant 0.000000e+00 : f32
      %ge3A_108 = vector.broadcast %ge3A_107 : f32 to vector<16xf32>
      %ge3A_109 = arith.cmpf oge, %get3A_104, %ge3A_108 : vector<16xf32>
      %gt3A_110 = arith.constant 0.000000e+00 : f32
      %gt3A_111 = vector.broadcast %gt3A_110 : f32 to vector<16xf32>
      %gt3A_112 = arith.cmpf ogt, %get3A_104, %gt3A_111 : vector<16xf32>
      %sub3A_113 = arith.constant 1.000000e+00 : f32
      %sub3A_114 = vector.broadcast %sub3A_113 : f32 to vector<16xf32>
      %sub3A_115 = arith.subf %sub3A_114, %get3A_106 : vector<16xf32>
      %select_n3A_116 = arith.select %gt3A_112, %get3A_106, %sub3A_115 : vector<16xi1>, vector<16xf32>
      %bitcast_convert_type3A_117 = tpu.bitcast %select_n3A_116 : vector<16xf32> -> vector<16xi32>
      %shift_right_arithmetic3A_118 = arith.constant 23 : i32
      %shift_right_arithmetic3A_119 = vector.broadcast %shift_right_arithmetic3A_118 : i32 to vector<16xi32>
      %shift_right_arithmetic3A_120 = arith.shrsi %bitcast_convert_type3A_117, %shift_right_arithmetic3A_119 : vector<16xi32>
      %sub3A_121 = arith.constant 127 : i32
      %sub3A_122 = vector.broadcast %sub3A_121 : i32 to vector<16xi32>
      %sub3A_123 = arith.subi %shift_right_arithmetic3A_120, %sub3A_122 : vector<16xi32>
      %and3A_124 = arith.constant 8388607 : i32
      %and3A_125 = vector.broadcast %and3A_124 : i32 to vector<16xi32>
      %and3A_126 = arith.andi %bitcast_convert_type3A_117, %and3A_125 : vector<16xi32>
      %or3A_127 = arith.constant 1065353216 : i32
      %or3A_128 = vector.broadcast %or3A_127 : i32 to vector<16xi32>
      %or3A_129 = arith.ori %and3A_126, %or3A_128 : vector<16xi32>
      %bitcast_convert_type3A_130 = tpu.bitcast %or3A_129 : vector<16xi32> -> vector<16xf32>
      %gt3A_131 = arith.constant 1.41421354 : f32
      %gt3A_132 = vector.broadcast %gt3A_131 : f32 to vector<16xf32>
      %gt3A_133 = arith.cmpf ogt, %bitcast_convert_type3A_130, %gt3A_132 : vector<16xf32>
      %mul3A_134 = arith.constant 5.000000e-01 : f32
      %mul3A_135 = vector.broadcast %mul3A_134 : f32 to vector<16xf32>
      %mul3A_136 = arith.mulf %bitcast_convert_type3A_130, %mul3A_135 : vector<16xf32>
      %select_n3A_137 = arith.select %gt3A_133, %mul3A_136, %bitcast_convert_type3A_130 : vector<16xi1>, vector<16xf32>
      %convert_element_type3A_138 = arith.sitofp %sub3A_123 : vector<16xi32> to vector<16xf32>
      %jit3A_139 = arith.constant 1.000000e+00 : f32
      %jit3A_140 = arith.constant 0.000000e+00 : f32
      %broadcast_in_dim3A_141 = vector.broadcast %jit3A_139 : f32 to vector<16xf32>
      %broadcast_in_dim3A_142 = vector.broadcast %jit3A_140 : f32 to vector<16xf32>
      %select_n3A_143 = arith.select %gt3A_133, %broadcast_in_dim3A_141, %broadcast_in_dim3A_142 : vector<16xi1>, vector<16xf32>
      %add3A_144 = arith.addf %convert_element_type3A_138, %select_n3A_143 : vector<16xf32>
      %sub3A_145 = arith.constant 1.000000e+00 : f32
      %sub3A_146 = vector.broadcast %sub3A_145 : f32 to vector<16xf32>
      %sub3A_147 = arith.subf %select_n3A_137, %sub3A_146 : vector<16xf32>
      %broadcast_in_dim3A_148 = arith.constant 0.17224595 : f32
      %broadcast_in_dim3A_149 = vector.broadcast %broadcast_in_dim3A_148 : f32 to vector<16xf32>
      %mul3A_150 = arith.mulf %broadcast_in_dim3A_149, %sub3A_147 : vector<16xf32>
      %add3A_151 = arith.constant -0.274080038 : f32
      %add3A_152 = vector.broadcast %add3A_151 : f32 to vector<16xf32>
      %add3A_153 = arith.addf %mul3A_150, %add3A_152 : vector<16xf32>
      %mul3A_154 = arith.mulf %add3A_153, %sub3A_147 : vector<16xf32>
      %add3A_155 = arith.constant 0.338005632 : f32
      %add3A_156 = vector.broadcast %add3A_155 : f32 to vector<16xf32>
      %add3A_157 = arith.addf %mul3A_154, %add3A_156 : vector<16xf32>
      %mul3A_158 = arith.mulf %add3A_157, %sub3A_147 : vector<16xf32>
      %add3A_159 = arith.constant -0.499110103 : f32
      %add3A_160 = vector.broadcast %add3A_159 : f32 to vector<16xf32>
      %add3A_161 = arith.addf %mul3A_158, %add3A_160 : vector<16xf32>
      %mul3A_162 = arith.mulf %add3A_161, %sub3A_147 : vector<16xf32>
      %add3A_163 = arith.constant 0.999887108 : f32
      %add3A_164 = vector.broadcast %add3A_163 : f32 to vector<16xf32>
      %add3A_165 = arith.addf %mul3A_162, %add3A_164 : vector<16xf32>
      %mul3A_166 = arith.mulf %add3A_165, %sub3A_147 : vector<16xf32>
      %add3A_167 = arith.constant -5.4488728E-6 : f32
      %add3A_168 = vector.broadcast %add3A_167 : f32 to vector<16xf32>
      %add3A_169 = arith.addf %mul3A_166, %add3A_168 : vector<16xf32>
      %mul3A_170 = arith.constant 0.693147182 : f32
      %mul3A_171 = vector.broadcast %mul3A_170 : f32 to vector<16xf32>
      %mul3A_172 = arith.mulf %add3A_144, %mul3A_171 : vector<16xf32>
      %add3A_173 = arith.addf %add3A_169, %mul3A_172 : vector<16xf32>
      %neg3A_174 = arith.constant 0.000000e+00 : f32
      %neg3A_175 = vector.broadcast %neg3A_174 : f32 to vector<16xf32>
      %neg3A_176 = arith.subf %neg3A_175, %add3A_173 : vector<16xf32>
      %jit3A_177 = arith.constant 0.000000e+00 : f32
      %broadcast_in_dim3A_178 = vector.broadcast %jit3A_177 : f32 to vector<16xf32>
      %select_n3A_179 = arith.select %ge3A_109, %neg3A_176, %broadcast_in_dim3A_178 : vector<16xi1>, vector<16xf32>
      %jit3A_180 = arith.constant 1.000000e+00 : f32
      %jit3A_181 = arith.constant 0.000000e+00 : f32
      %broadcast_in_dim3A_182 = vector.broadcast %jit3A_180 : f32 to vector<16xf32>
      %broadcast_in_dim3A_183 = vector.broadcast %jit3A_181 : f32 to vector<16xf32>
      %select_n3A_184 = arith.select %ge3A_109, %broadcast_in_dim3A_182, %broadcast_in_dim3A_183 : vector<16xi1>, vector<16xf32>
      %jit3A_185 = arith.constant 1.000000e+00 : f32
      %jit3A_186 = arith.constant 0.000000e+00 : f32
      %broadcast_in_dim3A_187 = vector.broadcast %jit3A_185 : f32 to vector<16xf32>
      %broadcast_in_dim3A_188 = vector.broadcast %jit3A_186 : f32 to vector<16xf32>
      %select_n3A_189 = arith.select %gt3A_112, %broadcast_in_dim3A_187, %broadcast_in_dim3A_188 : vector<16xi1>, vector<16xf32>
      %add3A_190 = arith.constant 32 : i32
      %add3A_191 = arith.addi %multiple_of3A, %add3A_190 : i32
      %get3A_192 = arith.index_cast %add3A_191 : i32 to index
      %get3A_193 = tpu.vector_load %arg5[%get3A_192] {strides = array<i32>} : memref<8192xf32, #tpu.memory_space<vmem>>, vector<16xf32>,
      %get3A_194 = arith.index_cast %add3A_191 : i32 to index
      %get3A_195 = tpu.vector_load %arg6[%get3A_194] {strides = array<i32>} : memref<8192xf32, #tpu.memory_space<vmem>>, vector<16xf32>,
      %ge3A_196 = arith.constant 0.000000e+00 : f32
      %ge3A_197 = vector.broadcast %ge3A_196 : f32 to vector<16xf32>
      %ge3A_198 = arith.cmpf oge, %get3A_193, %ge3A_197 : vector<16xf32>
      %gt3A_199 = arith.constant 0.000000e+00 : f32
      %gt3A_200 = vector.broadcast %gt3A_199 : f32 to vector<16xf32>
      %gt3A_201 = arith.cmpf ogt, %get3A_193, %gt3A_200 : vector<16xf32>
      %sub3A_202 = arith.constant 1.000000e+00 : f32
      %sub3A_203 = vector.broadcast %sub3A_202 : f32 to vector<16xf32>
      %sub3A_204 = arith.subf %sub3A_203, %get3A_195 : vector<16xf32>
      %select_n3A_205 = arith.select %gt3A_201, %get3A_195, %sub3A_204 : vector<16xi1>, vector<16xf32>
      %bitcast_convert_type3A_206 = tpu.bitcast %select_n3A_205 : vector<16xf32> -> vector<16xi32>
      %shift_right_arithmetic3A_207 = arith.constant 23 : i32
      %shift_right_arithmetic3A_208 = vector.broadcast %shift_right_arithmetic3A_207 : i32 to vector<16xi32>
      %shift_right_arithmetic3A_209 = arith.shrsi %bitcast_convert_type3A_206, %shift_right_arithmetic3A_208 : vector<16xi32>
      %sub3A_210 = arith.constant 127 : i32
      %sub3A_211 = vector.broadcast %sub3A_210 : i32 to vector<16xi32>
      %sub3A_212 = arith.subi %shift_right_arithmetic3A_209, %sub3A_211 : vector<16xi32>
      %and3A_213 = arith.constant 8388607 : i32
      %and3A_214 = vector.broadcast %and3A_213 : i32 to vector<16xi32>
      %and3A_215 = arith.andi %bitcast_convert_type3A_206, %and3A_214 : vector<16xi32>
      %or3A_216 = arith.constant 1065353216 : i32
      %or3A_217 = vector.broadcast %or3A_216 : i32 to vector<16xi32>
      %or3A_218 = arith.ori %and3A_215, %or3A_217 : vector<16xi32>
      %bitcast_convert_type3A_219 = tpu.bitcast %or3A_218 : vector<16xi32> -> vector<16xf32>
      %gt3A_220 = arith.constant 1.41421354 : f32
      %gt3A_221 = vector.broadcast %gt3A_220 : f32 to vector<16xf32>
      %gt3A_222 = arith.cmpf ogt, %bitcast_convert_type3A_219, %gt3A_221 : vector<16xf32>
      %mul3A_223 = arith.constant 5.000000e-01 : f32
      %mul3A_224 = vector.broadcast %mul3A_223 : f32 to vector<16xf32>
      %mul3A_225 = arith.mulf %bitcast_convert_type3A_219, %mul3A_224 : vector<16xf32>
      %select_n3A_226 = arith.select %gt3A_222, %mul3A_225, %bitcast_convert_type3A_219 : vector<16xi1>, vector<16xf32>
      %convert_element_type3A_227 = arith.sitofp %sub3A_212 : vector<16xi32> to vector<16xf32>
      %jit3A_228 = arith.constant 1.000000e+00 : f32
      %jit3A_229 = arith.constant 0.000000e+00 : f32
      %broadcast_in_dim3A_230 = vector.broadcast %jit3A_228 : f32 to vector<16xf32>
      %broadcast_in_dim3A_231 = vector.broadcast %jit3A_229 : f32 to vector<16xf32>
      %select_n3A_232 = arith.select %gt3A_222, %broadcast_in_dim3A_230, %broadcast_in_dim3A_231 : vector<16xi1>, vector<16xf32>
      %add3A_233 = arith.addf %convert_element_type3A_227, %select_n3A_232 : vector<16xf32>
      %sub3A_234 = arith.constant 1.000000e+00 : f32
      %sub3A_235 = vector.broadcast %sub3A_234 : f32 to vector<16xf32>
      %sub3A_236 = arith.subf %select_n3A_226, %sub3A_235 : vector<16xf32>
      %broadcast_in_dim3A_237 = arith.constant 0.17224595 : f32
      %broadcast_in_dim3A_238 = vector.broadcast %broadcast_in_dim3A_237 : f32 to vector<16xf32>
      %mul3A_239 = arith.mulf %broadcast_in_dim3A_238, %sub3A_236 : vector<16xf32>
      %add3A_240 = arith.constant -0.274080038 : f32
      %add3A_241 = vector.broadcast %add3A_240 : f32 to vector<16xf32>
      %add3A_242 = arith.addf %mul3A_239, %add3A_241 : vector<16xf32>
      %mul3A_243 = arith.mulf %add3A_242, %sub3A_236 : vector<16xf32>
      %add3A_244 = arith.constant 0.338005632 : f32
      %add3A_245 = vector.broadcast %add3A_244 : f32 to vector<16xf32>
      %add3A_246 = arith.addf %mul3A_243, %add3A_245 : vector<16xf32>
      %mul3A_247 = arith.mulf %add3A_246, %sub3A_236 : vector<16xf32>
      %add3A_248 = arith.constant -0.499110103 : f32
      %add3A_249 = vector.broadcast %add3A_248 : f32 to vector<16xf32>
      %add3A_250 = arith.addf %mul3A_247, %add3A_249 : vector<16xf32>
      %mul3A_251 = arith.mulf %add3A_250, %sub3A_236 : vector<16xf32>
      %add3A_252 = arith.constant 0.999887108 : f32
      %add3A_253 = vector.broadcast %add3A_252 : f32 to vector<16xf32>
      %add3A_254 = arith.addf %mul3A_251, %add3A_253 : vector<16xf32>
      %mul3A_255 = arith.mulf %add3A_254, %sub3A_236 : vector<16xf32>
      %add3A_256 = arith.constant -5.4488728E-6 : f32
      %add3A_257 = vector.broadcast %add3A_256 : f32 to vector<16xf32>
      %add3A_258 = arith.addf %mul3A_255, %add3A_257 : vector<16xf32>
      %mul3A_259 = arith.constant 0.693147182 : f32
      %mul3A_260 = vector.broadcast %mul3A_259 : f32 to vector<16xf32>
      %mul3A_261 = arith.mulf %add3A_233, %mul3A_260 : vector<16xf32>
      %add3A_262 = arith.addf %add3A_258, %mul3A_261 : vector<16xf32>
      %neg3A_263 = arith.constant 0.000000e+00 : f32
      %neg3A_264 = vector.broadcast %neg3A_263 : f32 to vector<16xf32>
      %neg3A_265 = arith.subf %neg3A_264, %add3A_262 : vector<16xf32>
      %jit3A_266 = arith.constant 0.000000e+00 : f32
      %broadcast_in_dim3A_267 = vector.broadcast %jit3A_266 : f32 to vector<16xf32>
      %select_n3A_268 = arith.select %ge3A_198, %neg3A_265, %broadcast_in_dim3A_267 : vector<16xi1>, vector<16xf32>
      %jit3A_269 = arith.constant 1.000000e+00 : f32
      %jit3A_270 = arith.constant 0.000000e+00 : f32
      %broadcast_in_dim3A_271 = vector.broadcast %jit3A_269 : f32 to vector<16xf32>
      %broadcast_in_dim3A_272 = vector.broadcast %jit3A_270 : f32 to vector<16xf32>
      %select_n3A_273 = arith.select %ge3A_198, %broadcast_in_dim3A_271, %broadcast_in_dim3A_272 : vector<16xi1>, vector<16xf32>
      %jit3A_274 = arith.constant 1.000000e+00 : f32
      %jit3A_275 = arith.constant 0.000000e+00 : f32
      %broadcast_in_dim3A_276 = vector.broadcast %jit3A_274 : f32 to vector<16xf32>
      %broadcast_in_dim3A_277 = vector.broadcast %jit3A_275 : f32 to vector<16xf32>
      %select_n3A_278 = arith.select %gt3A_201, %broadcast_in_dim3A_276, %broadcast_in_dim3A_277 : vector<16xi1>, vector<16xf32>
      %add3A_279 = arith.constant 48 : i32
      %add3A_280 = arith.addi %multiple_of3A, %add3A_279 : i32
      %get3A_281 = arith.index_cast %add3A_280 : i32 to index
      %get3A_282 = tpu.vector_load %arg5[%get3A_281] {strides = array<i32>} : memref<8192xf32, #tpu.memory_space<vmem>>, vector<16xf32>,
      %get3A_283 = arith.index_cast %add3A_280 : i32 to index
      %get3A_284 = tpu.vector_load %arg6[%get3A_283] {strides = array<i32>} : memref<8192xf32, #tpu.memory_space<vmem>>, vector<16xf32>,
      %ge3A_285 = arith.constant 0.000000e+00 : f32
      %ge3A_286 = vector.broadcast %ge3A_285 : f32 to vector<16xf32>
      %ge3A_287 = arith.cmpf oge, %get3A_282, %ge3A_286 : vector<16xf32>
      %gt3A_288 = arith.constant 0.000000e+00 : f32
      %gt3A_289 = vector.broadcast %gt3A_288 : f32 to vector<16xf32>
      %gt3A_290 = arith.cmpf ogt, %get3A_282, %gt3A_289 : vector<16xf32>
      %sub3A_291 = arith.constant 1.000000e+00 : f32
      %sub3A_292 = vector.broadcast %sub3A_291 : f32 to vector<16xf32>
      %sub3A_293 = arith.subf %sub3A_292, %get3A_284 : vector<16xf32>
      %select_n3A_294 = arith.select %gt3A_290, %get3A_284, %sub3A_293 : vector<16xi1>, vector<16xf32>
      %bitcast_convert_type3A_295 = tpu.bitcast %select_n3A_294 : vector<16xf32> -> vector<16xi32>
      %shift_right_arithmetic3A_296 = arith.constant 23 : i32
      %shift_right_arithmetic3A_297 = vector.broadcast %shift_right_arithmetic3A_296 : i32 to vector<16xi32>
      %shift_right_arithmetic3A_298 = arith.shrsi %bitcast_convert_type3A_295, %shift_right_arithmetic3A_297 : vector<16xi32>
      %sub3A_299 = arith.constant 127 : i32
      %sub3A_300 = vector.broadcast %sub3A_299 : i32 to vector<16xi32>
      %sub3A_301 = arith.subi %shift_right_arithmetic3A_298, %sub3A_300 : vector<16xi32>
      %and3A_302 = arith.constant 8388607 : i32
      %and3A_303 = vector.broadcast %and3A_302 : i32 to vector<16xi32>
      %and3A_304 = arith.andi %bitcast_convert_type3A_295, %and3A_303 : vector<16xi32>
      %or3A_305 = arith.constant 1065353216 : i32
      %or3A_306 = vector.broadcast %or3A_305 : i32 to vector<16xi32>
      %or3A_307 = arith.ori %and3A_304, %or3A_306 : vector<16xi32>
      %bitcast_convert_type3A_308 = tpu.bitcast %or3A_307 : vector<16xi32> -> vector<16xf32>
      %gt3A_309 = arith.constant 1.41421354 : f32
      %gt3A_310 = vector.broadcast %gt3A_309 : f32 to vector<16xf32>
      %gt3A_311 = arith.cmpf ogt, %bitcast_convert_type3A_308, %gt3A_310 : vector<16xf32>
      %mul3A_312 = arith.constant 5.000000e-01 : f32
      %mul3A_313 = vector.broadcast %mul3A_312 : f32 to vector<16xf32>
      %mul3A_314 = arith.mulf %bitcast_convert_type3A_308, %mul3A_313 : vector<16xf32>
      %select_n3A_315 = arith.select %gt3A_311, %mul3A_314, %bitcast_convert_type3A_308 : vector<16xi1>, vector<16xf32>
      %convert_element_type3A_316 = arith.sitofp %sub3A_301 : vector<16xi32> to vector<16xf32>
      %jit3A_317 = arith.constant 1.000000e+00 : f32
      %jit3A_318 = arith.constant 0.000000e+00 : f32
      %broadcast_in_dim3A_319 = vector.broadcast %jit3A_317 : f32 to vector<16xf32>
      %broadcast_in_dim3A_320 = vector.broadcast %jit3A_318 : f32 to vector<16xf32>
      %select_n3A_321 = arith.select %gt3A_311, %broadcast_in_dim3A_319, %broadcast_in_dim3A_320 : vector<16xi1>, vector<16xf32>
      %add3A_322 = arith.addf %convert_element_type3A_316, %select_n3A_321 : vector<16xf32>
      %sub3A_323 = arith.constant 1.000000e+00 : f32
      %sub3A_324 = vector.broadcast %sub3A_323 : f32 to vector<16xf32>
      %sub3A_325 = arith.subf %select_n3A_315, %sub3A_324 : vector<16xf32>
      %broadcast_in_dim3A_326 = arith.constant 0.17224595 : f32
      %broadcast_in_dim3A_327 = vector.broadcast %broadcast_in_dim3A_326 : f32 to vector<16xf32>
      %mul3A_328 = arith.mulf %broadcast_in_dim3A_327, %sub3A_325 : vector<16xf32>
      %add3A_329 = arith.constant -0.274080038 : f32
      %add3A_330 = vector.broadcast %add3A_329 : f32 to vector<16xf32>
      %add3A_331 = arith.addf %mul3A_328, %add3A_330 : vector<16xf32>
      %mul3A_332 = arith.mulf %add3A_331, %sub3A_325 : vector<16xf32>
      %add3A_333 = arith.constant 0.338005632 : f32
      %add3A_334 = vector.broadcast %add3A_333 : f32 to vector<16xf32>
      %add3A_335 = arith.addf %mul3A_332, %add3A_334 : vector<16xf32>
      %mul3A_336 = arith.mulf %add3A_335, %sub3A_325 : vector<16xf32>
      %add3A_337 = arith.constant -0.499110103 : f32
      %add3A_338 = vector.broadcast %add3A_337 : f32 to vector<16xf32>
      %add3A_339 = arith.addf %mul3A_336, %add3A_338 : vector<16xf32>
      %mul3A_340 = arith.mulf %add3A_339, %sub3A_325 : vector<16xf32>
      %add3A_341 = arith.constant 0.999887108 : f32
      %add3A_342 = vector.broadcast %add3A_341 : f32 to vector<16xf32>
      %add3A_343 = arith.addf %mul3A_340, %add3A_342 : vector<16xf32>
      %mul3A_344 = arith.mulf %add3A_343, %sub3A_325 : vector<16xf32>
      %add3A_345 = arith.constant -5.4488728E-6 : f32
      %add3A_346 = vector.broadcast %add3A_345 : f32 to vector<16xf32>
      %add3A_347 = arith.addf %mul3A_344, %add3A_346 : vector<16xf32>
      %mul3A_348 = arith.constant 0.693147182 : f32
      %mul3A_349 = vector.broadcast %mul3A_348 : f32 to vector<16xf32>
      %mul3A_350 = arith.mulf %add3A_322, %mul3A_349 : vector<16xf32>
      %add3A_351 = arith.addf %add3A_347, %mul3A_350 : vector<16xf32>
      %neg3A_352 = arith.constant 0.000000e+00 : f32
      %neg3A_353 = vector.broadcast %neg3A_352 : f32 to vector<16xf32>
      %neg3A_354 = arith.subf %neg3A_353, %add3A_351 : vector<16xf32>
      %jit3A_355 = arith.constant 0.000000e+00 : f32
      %broadcast_in_dim3A_356 = vector.broadcast %jit3A_355 : f32 to vector<16xf32>
      %select_n3A_357 = arith.select %ge3A_287, %neg3A_354, %broadcast_in_dim3A_356 : vector<16xi1>, vector<16xf32>
      %jit3A_358 = arith.constant 1.000000e+00 : f32
      %jit3A_359 = arith.constant 0.000000e+00 : f32
      %broadcast_in_dim3A_360 = vector.broadcast %jit3A_358 : f32 to vector<16xf32>
      %broadcast_in_dim3A_361 = vector.broadcast %jit3A_359 : f32 to vector<16xf32>
      %select_n3A_362 = arith.select %ge3A_287, %broadcast_in_dim3A_360, %broadcast_in_dim3A_361 : vector<16xi1>, vector<16xf32>
      %jit3A_363 = arith.constant 1.000000e+00 : f32
      %jit3A_364 = arith.constant 0.000000e+00 : f32
      %broadcast_in_dim3A_365 = vector.broadcast %jit3A_363 : f32 to vector<16xf32>
      %broadcast_in_dim3A_366 = vector.broadcast %jit3A_364 : f32 to vector<16xf32>
      %select_n3A_367 = arith.select %gt3A_290, %broadcast_in_dim3A_365, %broadcast_in_dim3A_366 : vector<16xi1>, vector<16xf32>
      %add3A_368 = arith.addf %select_n3A_90, %select_n3A_179 : vector<16xf32>
      %add3A_369 = arith.addf %select_n3A_268, %select_n3A_357 : vector<16xf32>
      %add3A_370 = arith.addf %add3A_368, %add3A_369 : vector<16xf32>
      %add3A_371 = arith.addf %scan3A_21, %add3A_370 : vector<16xf32>
      %add3A_372 = arith.addf %select_n3A_95, %select_n3A_184 : vector<16xf32>
      %add3A_373 = arith.addf %select_n3A_273, %select_n3A_362 : vector<16xf32>
      %add3A_374 = arith.addf %add3A_372, %add3A_373 : vector<16xf32>
      %add3A_375 = arith.addf %scan3A_22, %add3A_374 : vector<16xf32>
      %add3A_376 = arith.addf %select_n3A_100, %select_n3A_189 : vector<16xf32>
      %add3A_377 = arith.addf %select_n3A_278, %select_n3A_367 : vector<16xf32>
      %add3A_378 = arith.addf %add3A_376, %add3A_377 : vector<16xf32>
      %add3A_379 = arith.addf %scan3A_23, %add3A_378 : vector<16xf32>
      scf.yield %add3A_371, %add3A_375, %add3A_379 : vector<16xf32>, vector<16xf32>, vector<16xf32>
    }
    %scan3A_14 = arith.constant 128 : i32
    %swap3A = arith.constant 0 : index
    %swap3A_15 = tpu.vector_load %arg7[%swap3A] {strides = array<i32>} : memref<48xf32, #tpu.memory_space<vmem>>, vector<16xf32>,
    tpu.vector_store %arg7[%swap3A], %scan3A_13#0 {strides = array<i32>} : memref<48xf32, #tpu.memory_space<vmem>>, vector<16xf32>,
    %swap3A_16 = arith.constant 16 : index
    %swap3A_17 = tpu.vector_load %arg7[%swap3A_16] {strides = array<i32>} : memref<48xf32, #tpu.memory_space<vmem>>, vector<16xf32>,
    tpu.vector_store %arg7[%swap3A_16], %scan3A_13#1 {strides = array<i32>} : memref<48xf32, #tpu.memory_space<vmem>>, vector<16xf32>,
    %swap3A_18 = arith.constant 32 : index
    %swap3A_19 = tpu.vector_load %arg7[%swap3A_18] {strides = array<i32>} : memref<48xf32, #tpu.memory_space<vmem>>, vector<16xf32>,
    tpu.vector_store %arg7[%swap3A_18], %scan3A_13#2 {strides = array<i32>} : memref<48xf32, #tpu.memory_space<vmem>>, vector<16xf32>,
    "tpu.region"() ({
      %run_scoped3A = tpu.sem_alloc : memref<!tpu.dma_semaphore, #tpu.memory_space<semaphore_mem>>
      %dma_start3A_20 = arith.constant 0 : i32
      %dma_start3A_21 = tpu.memref_slice %arg4[%add3A, %dma_start3A_20] : memref<32x48xf32, #tpu.memory_space<hbm>> -> memref<1x48xf32, #tpu.memory_space<hbm>>
      %dma_start3A_22 = tpu.memref_squeeze %dma_start3A_21 : memref<1x48xf32, #tpu.memory_space<hbm>> -> memref<48xf32, #tpu.memory_space<hbm>>
      %dma_start3A_23 = arith.constant 0 : i32
      %dma_start3A_24 = tpu.memref_slice %arg4[%add3A, %dma_start3A_23] : memref<32x48xf32, #tpu.memory_space<hbm>> -> memref<1x48xf32, #tpu.memory_space<hbm>>
      %dma_start3A_25 = tpu.memref_squeeze %dma_start3A_24 : memref<1x48xf32, #tpu.memory_space<hbm>> -> memref<48xf32, #tpu.memory_space<hbm>>
      tpu.enqueue_dma source(%arg7 : memref<48xf32, #tpu.memory_space<vmem>>) target(%dma_start3A_25 : memref<48xf32, #tpu.memory_space<hbm>>) target_semaphore(%run_scoped3A : memref<!tpu.dma_semaphore, #tpu.memory_space<semaphore_mem>>)
      %dma_wait3A_26 = arith.constant 0 : i32
      %dma_wait3A_27 = tpu.memref_slice %arg4[%add3A, %dma_wait3A_26] : memref<32x48xf32, #tpu.memory_space<hbm>> -> memref<1x48xf32, #tpu.memory_space<hbm>>
      %dma_wait3A_28 = tpu.memref_squeeze %dma_wait3A_27 : memref<1x48xf32, #tpu.memory_space<hbm>> -> memref<48xf32, #tpu.memory_space<hbm>>
      %dma_wait3A_29 = arith.constant 0 : i32
      %dma_wait3A_30 = tpu.memref_slice %arg4[%add3A, %dma_wait3A_29] : memref<32x48xf32, #tpu.memory_space<hbm>> -> memref<1x48xf32, #tpu.memory_space<hbm>>
      %dma_wait3A_31 = tpu.memref_squeeze %dma_wait3A_30 : memref<1x48xf32, #tpu.memory_space<hbm>> -> memref<48xf32, #tpu.memory_space<hbm>>
      tpu.wait_dma2 semaphore(%run_scoped3A : memref<!tpu.dma_semaphore, #tpu.memory_space<semaphore_mem>>) src(%arg7 : memref<48xf32, #tpu.memory_space<vmem>>) dst(%dma_wait3A_31 : memref<48xf32, #tpu.memory_space<hbm>>)
      tpu.yield
    }) : () -> ()
    return
  }
}

module attributes {stable_mosaic.version = 14 : i64} {
  func.func @_combine_body(%arg0: memref<32x48xf32, #tpu.memory_space<vmem>>, %arg1: memref<1x1xf32, #tpu.memory_space<smem>>, %arg2: memref<1x1xf32, #tpu.memory_space<smem>>) attributes {dimension_semantics = [], scalar_prefetch = 0 : i64, scratch_operands = 0 : i64, tpu.core_type = #tpu.core_type<tc>} {
    %get3A = arith.constant 0 : index
    %get3A_0 = arith.constant 0 : index
    %get3A_1 = vector.load %arg0[%get3A, %get3A_0] : memref<32x48xf32, #tpu.memory_space<vmem>>, vector<32x48xf32>
    %slice3A = vector.extract_strided_slice %get3A_1 {offsets = [0, 0], sizes = [32, 16], strides = [1, 1]} : vector<32x48xf32> to vector<32x16xf32>
    %reduce_sum3A = vector.shape_cast %slice3A : vector<32x16xf32> to vector<1x32x16xf32>
    %reduce_sum3A_2 = arith.constant dense<0.000000e+00> : vector<1xf32>
    %reduce_sum3A_3 = vector.multi_reduction <add>, %reduce_sum3A, %reduce_sum3A_2 [1, 2] : vector<1x32x16xf32> to vector<1xf32>
    %reduce_sum3A_4 = vector.shape_cast %reduce_sum3A_3 : vector<1xf32> to vector<1x1x1xf32>
    %reduce_sum3A_5 = vector.extract %reduce_sum3A_4[0, 0, 0] : f32 from vector<1x1x1xf32>
    %slice3A_6 = vector.extract_strided_slice %get3A_1 {offsets = [0, 16], sizes = [32, 16], strides = [1, 1]} : vector<32x48xf32> to vector<32x16xf32>
    %reduce_sum3A_7 = vector.shape_cast %slice3A_6 : vector<32x16xf32> to vector<1x32x16xf32>
    %reduce_sum3A_8 = arith.constant dense<0.000000e+00> : vector<1xf32>
    %reduce_sum3A_9 = vector.multi_reduction <add>, %reduce_sum3A_7, %reduce_sum3A_8 [1, 2] : vector<1x32x16xf32> to vector<1xf32>
    %reduce_sum3A_10 = vector.shape_cast %reduce_sum3A_9 : vector<1xf32> to vector<1x1x1xf32>
    %reduce_sum3A_11 = vector.extract %reduce_sum3A_10[0, 0, 0] : f32 from vector<1x1x1xf32>
    %slice3A_12 = vector.extract_strided_slice %get3A_1 {offsets = [0, 32], sizes = [32, 16], strides = [1, 1]} : vector<32x48xf32> to vector<32x16xf32>
    %reduce_sum3A_13 = vector.shape_cast %slice3A_12 : vector<32x16xf32> to vector<1x32x16xf32>
    %reduce_sum3A_14 = arith.constant dense<0.000000e+00> : vector<1xf32>
    %reduce_sum3A_15 = vector.multi_reduction <add>, %reduce_sum3A_13, %reduce_sum3A_14 [1, 2] : vector<1x32x16xf32> to vector<1xf32>
    %reduce_sum3A_16 = vector.shape_cast %reduce_sum3A_15 : vector<1xf32> to vector<1x1x1xf32>
    %reduce_sum3A_17 = vector.extract %reduce_sum3A_16[0, 0, 0] : f32 from vector<1x1x1xf32>
    %get3A_18 = arith.constant 0 : index
    %get3A_19 = arith.constant 0 : index
    %get3A_20 = memref.load %arg1[%get3A_18, %get3A_19] : memref<1x1xf32, #tpu.memory_space<smem>>
    %max3A = arith.constant 1.000000e+00 : f32
    %max3A_21 = arith.maximumf %reduce_sum3A_11, %max3A : f32
    %div3A = arith.divf %reduce_sum3A_5, %max3A_21 : f32
    %mul3A = arith.constant 1.000000e+01 : f32
    %mul3A_22 = arith.mulf %mul3A, %get3A_20 : f32
    %max3A_23 = arith.constant 1.000000e-07 : f32
    %max3A_24 = arith.maximumf %max3A_23, %reduce_sum3A_17 : f32
    %div3A_25 = arith.divf %mul3A_22, %max3A_24 : f32
    %add3A = arith.addf %div3A, %div3A_25 : f32
    %swap3A = arith.constant 0 : index
    %swap3A_26 = arith.constant 0 : index
    %swap3A_27 = memref.load %arg2[%swap3A, %swap3A_26] : memref<1x1xf32, #tpu.memory_space<smem>>
    memref.store %add3A, %arg2[%swap3A, %swap3A_26] : memref<1x1xf32, #tpu.memory_space<smem>>
    return
  }
}

module attributes {stable_mosaic.version = 14 : i64} {
  func.func @_tc_reg_body(%arg0: memref<2048x128xf32, #tpu.memory_space<hbm>>, %arg1: memref<8192x128xf32, #tpu.memory_space<hbm>>, %arg2: memref<8192x128xf32, #tpu.memory_space<hbm>>, %arg3: memref<1x1xf32, #tpu.memory_space<smem>>, %arg4: memref<2x256x128xf32, #tpu.memory_space<vmem>>, %arg5: memref<2x1024x128xf32, #tpu.memory_space<vmem>>, %arg6: memref<2x1024x128xf32, #tpu.memory_space<vmem>>, %arg7: memref<2x3x!tpu.dma_semaphore, #tpu.memory_space<semaphore_mem>>) attributes {dimension_semantics = [], scalar_prefetch = 0 : i64, scratch_operands = 4 : i64, tpu.core_type = #tpu.core_type<tc>} {
    %dma_start3A = arith.constant 0 : i32
    %dma_start3A_0 = arith.constant 0 : i32
    %dma_start3A_1 = arith.constant 0 : i32
    %dma_start3A_2 = tpu.memref_slice %arg7[%dma_start3A_0, %dma_start3A_1] : memref<2x3x!tpu.dma_semaphore, #tpu.memory_space<semaphore_mem>> -> memref<1x1x!tpu.dma_semaphore, #tpu.memory_space<semaphore_mem>>
    %dma_start3A_3 = tpu.memref_squeeze %dma_start3A_2 : memref<1x1x!tpu.dma_semaphore, #tpu.memory_space<semaphore_mem>> -> memref<!tpu.dma_semaphore, #tpu.memory_space<semaphore_mem>>
    %dma_start3A_4 = arith.constant 0 : i32
    %dma_start3A_5 = arith.constant 0 : i32
    %dma_start3A_6 = tpu.memref_slice %arg4[%dma_start3A, %dma_start3A_4, %dma_start3A_5] : memref<2x256x128xf32, #tpu.memory_space<vmem>> -> memref<1x256x128xf32, #tpu.memory_space<vmem>>
    %dma_start3A_7 = tpu.memref_squeeze %dma_start3A_6 : memref<1x256x128xf32, #tpu.memory_space<vmem>> -> memref<256x128xf32, #tpu.memory_space<vmem>>
    %dma_start3A_8 = arith.constant 0 : i32
    %dma_start3A_9 = arith.constant 0 : i32
    %dma_start3A_10 = tpu.memref_slice %arg0[%dma_start3A_8, %dma_start3A_9] : memref<2048x128xf32, #tpu.memory_space<hbm>> -> memref<256x128xf32, #tpu.memory_space<hbm>>
    tpu.enqueue_dma source(%dma_start3A_10 : memref<256x128xf32, #tpu.memory_space<hbm>>) target(%dma_start3A_7 : memref<256x128xf32, #tpu.memory_space<vmem>>) target_semaphore(%dma_start3A_3 : memref<!tpu.dma_semaphore, #tpu.memory_space<semaphore_mem>>)
    %dma_start3A_11 = arith.constant 0 : i32
    %dma_start3A_12 = arith.constant 0 : i32
    %dma_start3A_13 = arith.constant 1 : i32
    %dma_start3A_14 = tpu.memref_slice %arg7[%dma_start3A_12, %dma_start3A_13] : memref<2x3x!tpu.dma_semaphore, #tpu.memory_space<semaphore_mem>> -> memref<1x1x!tpu.dma_semaphore, #tpu.memory_space<semaphore_mem>>
    %dma_start3A_15 = tpu.memref_squeeze %dma_start3A_14 : memref<1x1x!tpu.dma_semaphore, #tpu.memory_space<semaphore_mem>> -> memref<!tpu.dma_semaphore, #tpu.memory_space<semaphore_mem>>
    %dma_start3A_16 = arith.constant 0 : i32
    %dma_start3A_17 = arith.constant 0 : i32
    %dma_start3A_18 = tpu.memref_slice %arg5[%dma_start3A_11, %dma_start3A_16, %dma_start3A_17] : memref<2x1024x128xf32, #tpu.memory_space<vmem>> -> memref<1x1024x128xf32, #tpu.memory_space<vmem>>
    %dma_start3A_19 = tpu.memref_squeeze %dma_start3A_18 : memref<1x1024x128xf32, #tpu.memory_space<vmem>> -> memref<1024x128xf32, #tpu.memory_space<vmem>>
    %dma_start3A_20 = arith.constant 0 : i32
    %dma_start3A_21 = arith.constant 0 : i32
    %dma_start3A_22 = tpu.memref_slice %arg1[%dma_start3A_20, %dma_start3A_21] : memref<8192x128xf32, #tpu.memory_space<hbm>> -> memref<1024x128xf32, #tpu.memory_space<hbm>>
    tpu.enqueue_dma source(%dma_start3A_22 : memref<1024x128xf32, #tpu.memory_space<hbm>>) target(%dma_start3A_19 : memref<1024x128xf32, #tpu.memory_space<vmem>>) target_semaphore(%dma_start3A_15 : memref<!tpu.dma_semaphore, #tpu.memory_space<semaphore_mem>>)
    %dma_start3A_23 = arith.constant 0 : i32
    %dma_start3A_24 = arith.constant 0 : i32
    %dma_start3A_25 = arith.constant 2 : i32
    %dma_start3A_26 = tpu.memref_slice %arg7[%dma_start3A_24, %dma_start3A_25] : memref<2x3x!tpu.dma_semaphore, #tpu.memory_space<semaphore_mem>> -> memref<1x1x!tpu.dma_semaphore, #tpu.memory_space<semaphore_mem>>
    %dma_start3A_27 = tpu.memref_squeeze %dma_start3A_26 : memref<1x1x!tpu.dma_semaphore, #tpu.memory_space<semaphore_mem>> -> memref<!tpu.dma_semaphore, #tpu.memory_space<semaphore_mem>>
    %dma_start3A_28 = arith.constant 0 : i32
    %dma_start3A_29 = arith.constant 0 : i32
    %dma_start3A_30 = tpu.memref_slice %arg6[%dma_start3A_23, %dma_start3A_28, %dma_start3A_29] : memref<2x1024x128xf32, #tpu.memory_space<vmem>> -> memref<1x1024x128xf32, #tpu.memory_space<vmem>>
    %dma_start3A_31 = tpu.memref_squeeze %dma_start3A_30 : memref<1x1024x128xf32, #tpu.memory_space<vmem>> -> memref<1024x128xf32, #tpu.memory_space<vmem>>
    %dma_start3A_32 = arith.constant 0 : i32
    %dma_start3A_33 = arith.constant 0 : i32
    %dma_start3A_34 = tpu.memref_slice %arg2[%dma_start3A_32, %dma_start3A_33] : memref<8192x128xf32, #tpu.memory_space<hbm>> -> memref<1024x128xf32, #tpu.memory_space<hbm>>
    tpu.enqueue_dma source(%dma_start3A_34 : memref<1024x128xf32, #tpu.memory_space<hbm>>) target(%dma_start3A_31 : memref<1024x128xf32, #tpu.memory_space<vmem>>) target_semaphore(%dma_start3A_27 : memref<!tpu.dma_semaphore, #tpu.memory_space<semaphore_mem>>)
    %scan3A = arith.constant 0.000000e+00 : f32
    %scan3A_35 = arith.constant 0 : i32
    %scan3A_36 = arith.constant 8 : i32
    %scan3A_37 = arith.addi %scan3A_35, %scan3A_36 : i32
    %scan3A_38 = arith.constant 1 : i32
    %scan3A_39 = scf.for %scan3A_43 = %scan3A_35 to %scan3A_37 step %scan3A_38 iter_args(%scan3A_44 = %scan3A) -> (f32)  : i32 {
      %rem3A = arith.constant 2 : i32
      %rem3A_45 = arith.remsi %scan3A_43, %rem3A : i32
      %add3A = arith.constant 1 : i32
      %add3A_46 = arith.addi %scan3A_43, %add3A : i32
      %rem3A_47 = arith.constant 2 : i32
      %rem3A_48 = arith.remsi %add3A_46, %rem3A_47 : i32
      %add3A_49 = arith.constant 1 : i32
      %add3A_50 = arith.addi %scan3A_43, %add3A_49 : i32
      %lt3A = arith.constant 8 : i32
      %lt3A_51 = arith.cmpi slt, %add3A_50, %lt3A : i32
      %convert_element_type3A = arith.extui %lt3A_51 : i1 to i32
      %cond3A = arith.constant 0 : i32
      %cond3A_52 = arith.cmpi ne, %convert_element_type3A, %cond3A : i32
      scf.if %cond3A_52 {
        %add3A_117 = arith.constant 1 : i32
        %add3A_118 = arith.addi %scan3A_43, %add3A_117 : i32
        %mul3A_119 = arith.constant 256 : i32
        %mul3A_120 = arith.muli %add3A_118, %mul3A_119 : i32
        %dma_start3A_121 = arith.constant 0 : i32
        %dma_start3A_122 = tpu.memref_slice %arg7[%rem3A_48, %dma_start3A_121] : memref<2x3x!tpu.dma_semaphore, #tpu.memory_space<semaphore_mem>> -> memref<1x1x!tpu.dma_semaphore, #tpu.memory_space<semaphore_mem>>
        %dma_start3A_123 = tpu.memref_squeeze %dma_start3A_122 : memref<1x1x!tpu.dma_semaphore, #tpu.memory_space<semaphore_mem>> -> memref<!tpu.dma_semaphore, #tpu.memory_space<semaphore_mem>>
        %dma_start3A_124 = arith.constant 0 : i32
        %dma_start3A_125 = arith.constant 0 : i32
        %dma_start3A_126 = tpu.memref_slice %arg4[%rem3A_48, %dma_start3A_124, %dma_start3A_125] : memref<2x256x128xf32, #tpu.memory_space<vmem>> -> memref<1x256x128xf32, #tpu.memory_space<vmem>>
        %dma_start3A_127 = tpu.memref_squeeze %dma_start3A_126 : memref<1x256x128xf32, #tpu.memory_space<vmem>> -> memref<256x128xf32, #tpu.memory_space<vmem>>
        %dma_start3A_128 = arith.constant 0 : i32
        %dma_start3A_129 = tpu.memref_slice %arg0[%mul3A_120, %dma_start3A_128] : memref<2048x128xf32, #tpu.memory_space<hbm>> -> memref<256x128xf32, #tpu.memory_space<hbm>>
        tpu.enqueue_dma source(%dma_start3A_129 : memref<256x128xf32, #tpu.memory_space<hbm>>) target(%dma_start3A_127 : memref<256x128xf32, #tpu.memory_space<vmem>>) target_semaphore(%dma_start3A_123 : memref<!tpu.dma_semaphore, #tpu.memory_space<semaphore_mem>>)
        %mul3A_130 = arith.constant 1024 : i32
        %mul3A_131 = arith.muli %add3A_118, %mul3A_130 : i32
        %dma_start3A_132 = arith.constant 1 : i32
        %dma_start3A_133 = tpu.memref_slice %arg7[%rem3A_48, %dma_start3A_132] : memref<2x3x!tpu.dma_semaphore, #tpu.memory_space<semaphore_mem>> -> memref<1x1x!tpu.dma_semaphore, #tpu.memory_space<semaphore_mem>>
        %dma_start3A_134 = tpu.memref_squeeze %dma_start3A_133 : memref<1x1x!tpu.dma_semaphore, #tpu.memory_space<semaphore_mem>> -> memref<!tpu.dma_semaphore, #tpu.memory_space<semaphore_mem>>
        %dma_start3A_135 = arith.constant 0 : i32
        %dma_start3A_136 = arith.constant 0 : i32
        %dma_start3A_137 = tpu.memref_slice %arg5[%rem3A_48, %dma_start3A_135, %dma_start3A_136] : memref<2x1024x128xf32, #tpu.memory_space<vmem>> -> memref<1x1024x128xf32, #tpu.memory_space<vmem>>
        %dma_start3A_138 = tpu.memref_squeeze %dma_start3A_137 : memref<1x1024x128xf32, #tpu.memory_space<vmem>> -> memref<1024x128xf32, #tpu.memory_space<vmem>>
        %dma_start3A_139 = arith.constant 0 : i32
        %dma_start3A_140 = tpu.memref_slice %arg1[%mul3A_131, %dma_start3A_139] : memref<8192x128xf32, #tpu.memory_space<hbm>> -> memref<1024x128xf32, #tpu.memory_space<hbm>>
        tpu.enqueue_dma source(%dma_start3A_140 : memref<1024x128xf32, #tpu.memory_space<hbm>>) target(%dma_start3A_138 : memref<1024x128xf32, #tpu.memory_space<vmem>>) target_semaphore(%dma_start3A_134 : memref<!tpu.dma_semaphore, #tpu.memory_space<semaphore_mem>>)
        %mul3A_141 = arith.constant 1024 : i32
        %mul3A_142 = arith.muli %add3A_118, %mul3A_141 : i32
        %dma_start3A_143 = arith.constant 2 : i32
        %dma_start3A_144 = tpu.memref_slice %arg7[%rem3A_48, %dma_start3A_143] : memref<2x3x!tpu.dma_semaphore, #tpu.memory_space<semaphore_mem>> -> memref<1x1x!tpu.dma_semaphore, #tpu.memory_space<semaphore_mem>>
        %dma_start3A_145 = tpu.memref_squeeze %dma_start3A_144 : memref<1x1x!tpu.dma_semaphore, #tpu.memory_space<semaphore_mem>> -> memref<!tpu.dma_semaphore, #tpu.memory_space<semaphore_mem>>
        %dma_start3A_146 = arith.constant 0 : i32
        %dma_start3A_147 = arith.constant 0 : i32
        %dma_start3A_148 = tpu.memref_slice %arg6[%rem3A_48, %dma_start3A_146, %dma_start3A_147] : memref<2x1024x128xf32, #tpu.memory_space<vmem>> -> memref<1x1024x128xf32, #tpu.memory_space<vmem>>
        %dma_start3A_149 = tpu.memref_squeeze %dma_start3A_148 : memref<1x1024x128xf32, #tpu.memory_space<vmem>> -> memref<1024x128xf32, #tpu.memory_space<vmem>>
        %dma_start3A_150 = arith.constant 0 : i32
        %dma_start3A_151 = tpu.memref_slice %arg2[%mul3A_142, %dma_start3A_150] : memref<8192x128xf32, #tpu.memory_space<hbm>> -> memref<1024x128xf32, #tpu.memory_space<hbm>>
        tpu.enqueue_dma source(%dma_start3A_151 : memref<1024x128xf32, #tpu.memory_space<hbm>>) target(%dma_start3A_149 : memref<1024x128xf32, #tpu.memory_space<vmem>>) target_semaphore(%dma_start3A_145 : memref<!tpu.dma_semaphore, #tpu.memory_space<semaphore_mem>>)
      } else {
      }
      %mul3A = arith.constant 256 : i32
      %mul3A_53 = arith.muli %scan3A_43, %mul3A : i32
      %dma_wait3A = arith.constant 0 : i32
      %dma_wait3A_54 = tpu.memref_slice %arg7[%rem3A_45, %dma_wait3A] : memref<2x3x!tpu.dma_semaphore, #tpu.memory_space<semaphore_mem>> -> memref<1x1x!tpu.dma_semaphore, #tpu.memory_space<semaphore_mem>>
      %dma_wait3A_55 = tpu.memref_squeeze %dma_wait3A_54 : memref<1x1x!tpu.dma_semaphore, #tpu.memory_space<semaphore_mem>> -> memref<!tpu.dma_semaphore, #tpu.memory_space<semaphore_mem>>
      %dma_wait3A_56 = arith.constant 0 : i32
      %dma_wait3A_57 = arith.constant 0 : i32
      %dma_wait3A_58 = tpu.memref_slice %arg4[%rem3A_45, %dma_wait3A_56, %dma_wait3A_57] : memref<2x256x128xf32, #tpu.memory_space<vmem>> -> memref<1x256x128xf32, #tpu.memory_space<vmem>>
      %dma_wait3A_59 = tpu.memref_squeeze %dma_wait3A_58 : memref<1x256x128xf32, #tpu.memory_space<vmem>> -> memref<256x128xf32, #tpu.memory_space<vmem>>
      %dma_wait3A_60 = arith.constant 0 : i32
      %dma_wait3A_61 = tpu.memref_slice %arg0[%mul3A_53, %dma_wait3A_60] : memref<2048x128xf32, #tpu.memory_space<hbm>> -> memref<256x128xf32, #tpu.memory_space<hbm>>
      tpu.wait_dma2 semaphore(%dma_wait3A_55 : memref<!tpu.dma_semaphore, #tpu.memory_space<semaphore_mem>>) src(%dma_wait3A_61 : memref<256x128xf32, #tpu.memory_space<hbm>>) dst(%dma_wait3A_59 : memref<256x128xf32, #tpu.memory_space<vmem>>)
      %mul3A_62 = arith.constant 1024 : i32
      %mul3A_63 = arith.muli %scan3A_43, %mul3A_62 : i32
      %dma_wait3A_64 = arith.constant 1 : i32
      %dma_wait3A_65 = tpu.memref_slice %arg7[%rem3A_45, %dma_wait3A_64] : memref<2x3x!tpu.dma_semaphore, #tpu.memory_space<semaphore_mem>> -> memref<1x1x!tpu.dma_semaphore, #tpu.memory_space<semaphore_mem>>
      %dma_wait3A_66 = tpu.memref_squeeze %dma_wait3A_65 : memref<1x1x!tpu.dma_semaphore, #tpu.memory_space<semaphore_mem>> -> memref<!tpu.dma_semaphore, #tpu.memory_space<semaphore_mem>>
      %dma_wait3A_67 = arith.constant 0 : i32
      %dma_wait3A_68 = arith.constant 0 : i32
      %dma_wait3A_69 = tpu.memref_slice %arg5[%rem3A_45, %dma_wait3A_67, %dma_wait3A_68] : memref<2x1024x128xf32, #tpu.memory_space<vmem>> -> memref<1x1024x128xf32, #tpu.memory_space<vmem>>
      %dma_wait3A_70 = tpu.memref_squeeze %dma_wait3A_69 : memref<1x1024x128xf32, #tpu.memory_space<vmem>> -> memref<1024x128xf32, #tpu.memory_space<vmem>>
      %dma_wait3A_71 = arith.constant 0 : i32
      %dma_wait3A_72 = tpu.memref_slice %arg1[%mul3A_63, %dma_wait3A_71] : memref<8192x128xf32, #tpu.memory_space<hbm>> -> memref<1024x128xf32, #tpu.memory_space<hbm>>
      tpu.wait_dma2 semaphore(%dma_wait3A_66 : memref<!tpu.dma_semaphore, #tpu.memory_space<semaphore_mem>>) src(%dma_wait3A_72 : memref<1024x128xf32, #tpu.memory_space<hbm>>) dst(%dma_wait3A_70 : memref<1024x128xf32, #tpu.memory_space<vmem>>)
      %mul3A_73 = arith.constant 1024 : i32
      %mul3A_74 = arith.muli %scan3A_43, %mul3A_73 : i32
      %dma_wait3A_75 = arith.constant 2 : i32
      %dma_wait3A_76 = tpu.memref_slice %arg7[%rem3A_45, %dma_wait3A_75] : memref<2x3x!tpu.dma_semaphore, #tpu.memory_space<semaphore_mem>> -> memref<1x1x!tpu.dma_semaphore, #tpu.memory_space<semaphore_mem>>
      %dma_wait3A_77 = tpu.memref_squeeze %dma_wait3A_76 : memref<1x1x!tpu.dma_semaphore, #tpu.memory_space<semaphore_mem>> -> memref<!tpu.dma_semaphore, #tpu.memory_space<semaphore_mem>>
      %dma_wait3A_78 = arith.constant 0 : i32
      %dma_wait3A_79 = arith.constant 0 : i32
      %dma_wait3A_80 = tpu.memref_slice %arg6[%rem3A_45, %dma_wait3A_78, %dma_wait3A_79] : memref<2x1024x128xf32, #tpu.memory_space<vmem>> -> memref<1x1024x128xf32, #tpu.memory_space<vmem>>
      %dma_wait3A_81 = tpu.memref_squeeze %dma_wait3A_80 : memref<1x1024x128xf32, #tpu.memory_space<vmem>> -> memref<1024x128xf32, #tpu.memory_space<vmem>>
      %dma_wait3A_82 = arith.constant 0 : i32
      %dma_wait3A_83 = tpu.memref_slice %arg2[%mul3A_74, %dma_wait3A_82] : memref<8192x128xf32, #tpu.memory_space<hbm>> -> memref<1024x128xf32, #tpu.memory_space<hbm>>
      tpu.wait_dma2 semaphore(%dma_wait3A_77 : memref<!tpu.dma_semaphore, #tpu.memory_space<semaphore_mem>>) src(%dma_wait3A_83 : memref<1024x128xf32, #tpu.memory_space<hbm>>) dst(%dma_wait3A_81 : memref<1024x128xf32, #tpu.memory_space<vmem>>)
      %get3A = arith.index_cast %rem3A_45 : i32 to index
      %get3A_84 = arith.constant 0 : index
      %get3A_85 = arith.constant 0 : index
      %get3A_86 = vector.load %arg6[%get3A, %get3A_84, %get3A_85] : memref<2x1024x128xf32, #tpu.memory_space<vmem>>, vector<1x1024x128xf32>
      %get3A_87 = vector.shape_cast %get3A_86 : vector<1x1024x128xf32> to vector<1024x128xf32>
      %get3A_88 = arith.index_cast %rem3A_45 : i32 to index
      %get3A_89 = arith.constant 0 : index
      %get3A_90 = arith.constant 0 : index
      %get3A_91 = vector.load %arg5[%get3A_88, %get3A_89, %get3A_90] : memref<2x1024x128xf32, #tpu.memory_space<vmem>>, vector<1x1024x128xf32>
      %get3A_92 = vector.shape_cast %get3A_91 : vector<1x1024x128xf32> to vector<1024x128xf32>
      %sub3A = arith.subf %get3A_87, %get3A_92 : vector<1024x128xf32>
      %abs3A = math.absf %sub3A : vector<1024x128xf32>
      %min3A = arith.constant 1.000000e+00 : f32
      %min3A_93 = vector.broadcast %min3A : f32 to vector<1024x128xf32>
      %min3A_94 = arith.minimumf %abs3A, %min3A_93 : vector<1024x128xf32>
      %mul3A_95 = arith.constant 5.000000e-01 : f32
      %mul3A_96 = vector.broadcast %mul3A_95 : f32 to vector<1024x128xf32>
      %mul3A_97 = arith.mulf %mul3A_96, %min3A_94 : vector<1024x128xf32>
      %sub3A_98 = arith.subf %abs3A, %mul3A_97 : vector<1024x128xf32>
      %mul3A_99 = arith.mulf %min3A_94, %sub3A_98 : vector<1024x128xf32>
      %reshape3A = vector.shape_cast %mul3A_99 : vector<1024x128xf32> to vector<256x4x128xf32>
      %reduce_sum3A = arith.constant dense<0.000000e+00> : vector<256x128xf32>
      %reduce_sum3A_100 = vector.multi_reduction <add>, %reshape3A, %reduce_sum3A [1] : vector<256x4x128xf32> to vector<256x128xf32>
      %get3A_101 = arith.index_cast %rem3A_45 : i32 to index
      %get3A_102 = arith.constant 0 : index
      %get3A_103 = arith.constant 0 : index
      %get3A_104 = vector.load %arg4[%get3A_101, %get3A_102, %get3A_103] : memref<2x256x128xf32, #tpu.memory_space<vmem>>, vector<1x256x128xf32>
      %get3A_105 = vector.shape_cast %get3A_104 : vector<1x256x128xf32> to vector<256x128xf32>
      %gt3A = arith.constant 0.000000e+00 : f32
      %gt3A_106 = vector.broadcast %gt3A : f32 to vector<256x128xf32>
      %gt3A_107 = arith.cmpf ogt, %get3A_105, %gt3A_106 : vector<256x128xf32>
      %convert_element_type3A_108 = arith.extui %gt3A_107 : vector<256x128xi1> to vector<256x128xi32>
      %convert_element_type3A_109 = arith.sitofp %convert_element_type3A_108 : vector<256x128xi32> to vector<256x128xf32>
      %mul3A_110 = arith.mulf %convert_element_type3A_109, %reduce_sum3A_100 : vector<256x128xf32>
      %reduce_sum3A_111 = vector.shape_cast %mul3A_110 : vector<256x128xf32> to vector<1x256x128xf32>
      %reduce_sum3A_112 = arith.constant dense<0.000000e+00> : vector<1xf32>
      %reduce_sum3A_113 = vector.multi_reduction <add>, %reduce_sum3A_111, %reduce_sum3A_112 [1, 2] : vector<1x256x128xf32> to vector<1xf32>
      %reduce_sum3A_114 = vector.shape_cast %reduce_sum3A_113 : vector<1xf32> to vector<1x1x1xf32>
      %reduce_sum3A_115 = vector.extract %reduce_sum3A_114[0, 0, 0] : f32 from vector<1x1x1xf32>
      %add3A_116 = arith.addf %scan3A_44, %reduce_sum3A_115 : f32
      scf.yield %add3A_116 : f32
    }
    %scan3A_40 = arith.constant 8 : i32
    %swap3A = arith.constant 0 : index
    %swap3A_41 = arith.constant 0 : index
    %swap3A_42 = memref.load %arg3[%swap3A, %swap3A_41] : memref<1x1xf32, #tpu.memory_space<smem>>
    memref.store %scan3A_39, %arg3[%swap3A, %swap3A_41] : memref<1x1xf32, #tpu.memory_space<smem>>
    return
  }
}

</mosaic_0001>

<sc_bundles>
// kernel: kernel.5.cloned.1.call-start
scs
__scs_entry_jumppad:
0x0: {  	(pc) =	sbr.rel $0x88, $3  }
0x1: {  	(tag) =	ssettag $0x0;
	lr =	simm.s32 $0x1  }
0x2: {  	[smem:$0x3F9D] =	sst lr;
	_ =	strace $0xD0000000  }
0x3: {  	_ = 	snop  }
0x4: {  	_ = 	snop  }
0x5: {  	_ = 	snop  }
0x6: {  	_ = 	snop  }
0x7: {  	_ = 	snop  }
__scs_overlays_trampoline_lowered:
0x8: {  	[smem:$0x3FAC] =	sst s0  }
0x9: {  	[smem:$0x3FAD] =	sst s1  }
0xa: {  	[smem:$0x3FAE] =	sst s2  }
0xb: {  	[smem:$0x3FAF] =	sst s3  }
0xc: {  	[smem:$0x3FB0] =	sst s4  }
0xd: {  	[smem:$0x3FB1] =	sst s5  }
0xe: {  	[smem:$0x3FB2] =	sst s6  }
0xf: {  	[smem:$0x3FB3] =	sst s7  }
0x10: {  	[smem:$0x3FB4] =	sst s8  }
0x11: {  	[smem:$0x3FB5] =	sst s9;
	s0 =	simm.s32 @!p0 $0x0  }
0x12: {  	s1 =	sld [smem:$0x3F9B];
	s0 =	simm.s32 @p0 $0x1  }
0x13: {  	[smem:$0x3FB6] =	sst s0;
	s0 =	simm.s32 @!p1 $0x0  }
0x14: {  	s2 =	sld [smem:$0x3F9A];
	s0 =	simm.s32 @p1 $0x1  }
0x15: {  	[smem:$0x3FB7] =	sst s0;
	s0 =	simm.s32 @!p2 $0x0  }
0x16: {  	s3 =	sld [smem:$0x3FDB];
	s0 =	simm.s32 @p2 $0x1  }
0x17: {  	s4 =	simm.s32 $0x1BF5;
	[smem:$0x3FB9] =	sst s0  }
0x18: {  	s0 =	sld [smem:$0x3F9C];
	_ =	swait.ge [sflag:s4], $0x0  }
0x19: {  	s7 =	sld [smem:$0x3F9D]  }
0x1a: {  	s8 =	sadd.s32 $0xFFFFE003, lr  }
0x1b: {  	s9 =	sadd.s32 $0xFFFFFEF7, lr;
	s5 =	simm.s32 $0xFFFFFFFF;
	p2 =	slt.u32 s8, $0xFFFFF086  }
0x1c: {  	p1 =	slt.u32 s9, $0xF7A;
	s5 =	simm.s32 @!p2 $0x0  }
0x1d: {  	s5 =	simm.s32 @p1 $0x1;
	p0 =	seq.s32 s7, s2  }
0x1e: {  	s7 =	smul.u32 @!p0 $0xF7A, s2;
	p2 =	seq.s32 @!p0 s5, $0x0  }
0x1f: {  	s9 =	smul.u32 $0xF7A, s1;
	s8 =	simm.s32 @!p0 $0x1BF5;
	p2 =	por !p2, p0  }
0x20: {  	[sflag:s8] =	ssyncset.s32 @!p0 $0xFFFFF086;
	s6 =	sadd.s32 @!p0 s3, s7;
	s7 =	simm.s32 @!p0 $0x108  }
0x21: {  	s3 =	sadd.s32 s3, s9;
	s6 =	sadd.s32 @!p0 $0x88, s6;
	s7 =	simm.s32 @p2 $0x1082  }
0x22: {  	[simem:s7], [sflag:s8] =	dma.local @!p0 [hbm:s6], $0xF7A  }
0x23: {  	s9 =	sor.u32 $0xD0000000, s2;
	s6 =	simm.s32 $0x108;
	_ =	swait.ge @!p0 [sflag:s8], $0x0  }
0x24: {  	s3 =	sadd.s32 $0x88, s3;
	s6 =	simm.s32 @!p1 $0x1082;
	[sflag:s4] =	ssyncset.s32 $0xFFFFF086  }
0x25: {  	[simem:s6], [sflag:s4] =	dma.local [hbm:s3], $0xF7A  }
0x26: {  	[smem:$0x3F9D] =	sst s1;
	(tag) =	ssettag s2;
	_ =	strace s9  }
0x27: {  	s1 =	sld [smem:$0x3FAD]  }
0x28: {  	s2 =	sld [smem:$0x3FAE]  }
0x29: {  	s4 =	sld [smem:$0x3FB0]  }
0x2a: {  	p0 =	seq.s32 s5, $0x0;
	s5 =	sld [smem:$0x3FB1]  }
0x2b: {  	s6 =	sld [smem:$0x3FB2]  }
0x2c: {  	s7 =	sld [smem:$0x3FB3]  }
0x2d: {  	s3 =	simm.s32 $0x108;
	s8 =	sld [smem:$0x3FB4]  }
0x2e: {  	s3 =	simm.s32 @!p0 $0x1082;
	s9 =	sld [smem:$0x3FB5]  }
0x2f: {  	lr =	sadd.s32 s0, s3;
	s0 =	sld [smem:$0x3FAC]  }
0x30: {  	s3 =	sld [smem:$0x3FAF]  }
0x31: {  	[smem:$0x3FB8] =	sst s10  }
0x32: {  	s10 =	sld [smem:$0x3FB6];
	_ =	sdelay $0x3  }
0x33: {  	p0 =	seq.s32 s10, $0x1;
	s10 =	sld [smem:$0x3FB8];
	_ =	sdelay $0x3  }
0x34: {  	[smem:$0x3FB8] =	sst s10  }
0x35: {  	s10 =	sld [smem:$0x3FB7];
	_ =	sdelay $0x3  }
0x36: {  	p1 =	seq.s32 s10, $0x1;
	s10 =	sld [smem:$0x3FB8];
	_ =	sdelay $0x3  }
0x37: {  	[smem:$0x3FB8] =	sst s10  }
0x38: {  	s10 =	sld [smem:$0x3FB9]  }
0x39: {  	_ = 	snop;
	(pc) =	sbr.ind lr, $3  }
0x3a: {  	_ = 	snop  }
0x3b: {  	_ = 	snop  }
0x3c: {  	p2 =	seq.s32 s10, $0x1;
	s10 =	sld [smem:$0x3FB8]  }
0x3d: {  	_ =	shalt  }
0x3e: {  	_ =	shalt  }
0x3f: {  	_ =	shalt  }
0x40: {  	_ =	shalt  }
0x41: {  	_ =	shalt  }
0x42: {  	_ =	shalt  }
0x43: {  	_ =	shalt  }
0x44: {  	_ =	shalt  }
0x45: {  	_ =	shalt  }
0x46: {  	_ =	shalt  }
0x47: {  	_ =	shalt  }
0x48: {  	_ =	shalt  }
0x49: {  	_ =	shalt  }
0x4a: {  	_ =	shalt  }
0x4b: {  	_ =	shalt  }
0x4c: {  	_ =	shalt  }
0x4d: {  	_ =	shalt  }
0x4e: {  	_ =	shalt  }
0x4f: {  	_ =	shalt  }
0x50: {  	_ =	shalt  }
0x51: {  	_ =	shalt  }
0x52: {  	_ =	shalt  }
0x53: {  	_ =	shalt  }
0x54: {  	_ =	shalt  }
0x55: {  	_ =	shalt  }
0x56: {  	_ =	shalt  }
0x57: {  	_ =	shalt  }
0x58: {  	_ =	shalt  }
0x59: {  	_ =	shalt  }
0x5a: {  	_ =	shalt  }
0x5b: {  	_ =	shalt  }
0x5c: {  	_ =	shalt  }
0x5d: {  	_ =	shalt  }
0x5e: {  	_ =	shalt  }
0x5f: {  	_ =	shalt  }
0x60: {  	_ =	shalt  }
0x61: {  	_ =	shalt  }
0x62: {  	_ =	shalt  }
0x63: {  	_ =	shalt  }
0x64: {  	_ =	shalt  }
0x65: {  	_ =	shalt  }
0x66: {  	_ =	shalt  }
0x67: {  	_ =	shalt  }
0x68: {  	_ =	shalt  }
0x69: {  	_ =	shalt  }
0x6a: {  	_ =	shalt  }
0x6b: {  	_ =	shalt  }
0x6c: {  	_ =	shalt  }
0x6d: {  	_ =	shalt  }
0x6e: {  	_ =	shalt  }
0x6f: {  	_ =	shalt  }
0x70: {  	_ =	shalt  }
0x71: {  	_ =	shalt  }
0x72: {  	_ =	shalt  }
0x73: {  	_ =	shalt  }
0x74: {  	_ =	shalt  }
0x75: {  	_ =	shalt  }
0x76: {  	_ =	shalt  }
0x77: {  	_ =	shalt  }
0x78: {  	_ =	shalt  }
0x79: {  	_ =	shalt  }
0x7a: {  	_ =	shalt  }
0x7b: {  	_ =	shalt  }
0x7c: {  	_ =	shalt  }
0x7d: {  	_ =	shalt  }
0x7e: {  	_ =	shalt  }
0x7f: {  	_ =	shalt  }
0x80: {  	_ =	shalt  }
0x81: {  	_ =	shalt  }
0x82: {  	_ =	shalt  }
0x83: {  	_ =	shalt  }
0x84: {  	_ =	shalt  }
0x85: {  	_ =	shalt  }
0x86: {  	_ =	shalt  }
0x87: {  	_ =	shalt  }
.Lfunc_end0:
.L_simem_size_0:
called_computation_lowered:
.L_overlay_start_0:
0x88: {  	s2 =	sld [smem:$0x3FD9]  }
0x89: {  	s3 =	sld [smem:$0x3FFE];
	_ =	sdelay $0x1  }
0x8a: {  	s1 =	srdreg.scid  }
0x8b: {  	s0 =	sand.u32 $0x1, s1  }
0x8c: {  	s17 =	sshll.u32 s0, $0xA;
	s2 =	sadd.s32 s3, s2  }
0x8d: {  	s2 =	sadd.s32 s2, s17  }
0x8e: {  	[smem:$0x3FC4] =	sst s2  }
0x8f: {  	_ = 	snop  }
0x90: {  	s2 =	sld [smem:$0x3FC8]  }
0x91: {  	s18 =	sld [smem:$0x3FC6];
	(tm) =	ssettm $0x1  }
0x92: {  	s4 =	sld [smem:$0x3FFB];
	_ =	sdelay $0x3  }
0x93: {  	_ =	strace s4  }
0x94: {  	s4 =	sld [smem:$0x3FFC];
	_ =	sdelay $0x3  }
0x95: {  	_ =	strace s4  }
0x96: {  	s4 =	sld [smem:$0x3FFD];
	_ =	sdelay $0x3  }
0x97: {  	_ =	strace s4  }
0x98: {  	_ =	strace $0x8FFFFFFF  }
0x99: {  	s19 =	sld [smem:$0x3FDB];
	_ =	sdelay $0x1  }
0x9a: {  	s5 =	simm.s32 $_scs_section_size  }
0x9b: {  	s6 =	simm.s32 $_size__tile_overlayer_lowered;
	s7 =	simm.s32 $_tile_overlayer_lowered  }
0x9c: {  	s22 =	simm.s32 $0x1BFF;
	s21 =	sshll.u32 s7, $0x1;
	s4 =	sadd.s32 s5, s19  }
0x9d: {  	s8 =	simm.s32 $0x0;
	s20 =	sshll.u32 s6, $0x1;
	s6 =	sadd.s32 s21, s4  }
0x9e: {  	[timem:s8], [sflag:s22] =	dma.local [hbm:s6], s20  }
0x9f: {  	_ =	swait.ge [sflag:s22], s20  }
0xa0: {  	s5 =	ssub.s32 $0x0, s20;
	[sflag:s22] =	ssyncset.done $0x0  }
0xa1: {  	[sflag:s22] =	ssyncadd.s32 s5;
	_ =	sdelay $0x1  }
0xa2: {  	s23 =	simm.s32 $0x1B8B  }
0xa3: {  	_ =	swait.ge [sflag:s23], $0x1  }
0xa4: {  	[sflag:s23] =	ssyncset.done $0x0  }
0xa5: {  	s25 =	simm.s32 $0x1B8E;
	s24 =	sld [smem:$0x3FFE];
	[sflag:s23] =	ssyncadd.s32 $0xFFFFFFFF  }
0xa6: {  	s26 =	simm.s32 $execute0_lowered;
	[smem:$0x3FD2] =	sst s25  }
0xa7: {  	s6 =	sshll.u32 s26, $0x1;
	_ =	strace $0x80000046;
	[dreg:$0x1] =	wrdreg $0xFFFFFFFF  }
0xa8: {  	s28 =	simm.s32 $_size_execute0_lowered;
	s4 =	sadd.s32 s4, s6;
	[dreg:$0x0] =	wrdreg $0x0  }
0xa9: {  	s6 =	sshll.u32 s28, $0x1;
	[dreg:$0x2] =	wrdreg s4  }
0xaa: {  	[dreg:$0x3] =	wrdreg s6  }
0xab: {  	[dreg:$0x4] =	wrdreg $0xC0  }
0xac: {  	_ =	task [dreg:s8], $0x5FFFF  }
0xad: {  	[dreg:$0x1] =	wrdreg $0xFFFFFFFF  }
0xae: {  	[dreg:$0x0] =	wrdreg $0x60  }
0xaf: {  	[dreg:$0x2] =	wrdreg s2  }
0xb0: {  	[dreg:$0x3] =	wrdreg s18  }
0xb1: {  	[dreg:$0x4] =	wrdreg s24  }
0xb2: {  	[dreg:$0x5] =	wrdreg $0x9  }
0xb3: {  	_ =	task.clear_ibuf [dreg:s8], $0x6FFFF;
	_ =	strace $0x90000046  }
0xb4: {  	s29 =	simm.s32 $0x9;
	_ =	strace $0x80000048  }
0xb5: {  	_ =	swait.ge [sflag:s29], $0x1  }
0xb6: {  	[sflag:s29] =	ssyncadd.s32 $0xFFFFFFFF  }
0xb7: {  	_ =	strace $0x90000048  }
0xb8: {  	_ =	sfence  }
0xb9: {  	s30 =	sld [smem:$0x0];
	_ =	sdelay $0x2  }
0xba: {  	s31 =	sshll.u32 s1, $0xD;
	s1 =	sshrl.u32 s1, $0x2  }
0xbb: {  	s3 =	sand.u32 $0x4000, s31;
	s1 =	sadd.s32 s1, s30  }
0xbc: {  	s0 =	sor.u32 s3, s0;
	s1 =	sshll.u32 s1, $0x11  }
0xbd: {  	s0 =	sor.u32 s1, s0  }
0xbe: {  	s0 =	sadd.s32 $0x8F2B, s0  }
0xbf: {  	[sflag:s0] =	ssyncadd.remote.s32 $0x1  }
0xc0: {  	_ =	sfence.sel $0xFFFF  }
0xc1: {  	[dreg:$0x0] =	wrdreg $0xFFFFFFFF;
	(pc) =	sbr.abs _section_cstart, $3  }
0xc2: {  	[dreg:$0x1] =	wrdreg $0xFFFFFFFF  }
0xc3: {  	_ =	task.clear_ibuf [dreg:s8], $0x2FFFF;
	_ =	strace $0x9FFFFFFF  }
0xc4: {  	(tm) =	ssettm $0x7FFFFFFF  }
0xc5: {  	_ =	shalt  }
tec
execute0_lowered:
.L_overlay_start_1:
0x0: {  	(tag) =	ssettag $0x1  }
0x1: {  	s3 =	rddreg [dreg:$0x0]  }
0x2: {  	s4 =	rddreg [dreg:$0x1]  }
0x3: {  	s5 =	rddreg [dreg:$0x2]  }
0x4: {  	s0 =	rddreg [dreg:$0x3]  }
0x5: {  	s2 =	simm.s32 $0x0;
	s6 =	srdreg.scid;
	s1 =	stileid.u32  }
0x6: {  	s10 =	simm.s32 $0x4000;
	s11 =	simm.s32 $0x3;
	s12 =	simm.s32 $0x0  }
0x7: {  	[smem:$0x7FF] =	sst s2;
	s6 =	sand.u32 $0x1, s6;
	s7 =	sshll.u32 s1, $0x1  }
0x8: {  	_ =	strace $0x80000047;
	s7 =	sor.u32 s6, s7;
	s6 =	ssub.s32 $0x2, s6  }
0x9: {  	s8 =	sshll.u32 s7, $0x4;
	s9 =	sshrl.u32 s6, $0x1;
	s7 =	sshll.u32 s7, $0xA  }
0xa: {  	s5 =	sadd.s32 s8, s5;
	s6 =	ssub.s32 s6, s9;
	s3 =	sadd.s32 s3, s7  }
0xb: {  	s4 =	sadd.s32 s4, s7;
	s7 =	simm.s32 $0x2000;
	s8 =	simm.s32 $0x1  }
0xc: {  	v0 =	vimm.f32 $0.0e+00;
	s9 =	simm.s32 $0x2;
	s5 =	sadd.s32 $0xC00, s5;
	s6 =	smax.u32 s6, $0x1  }
.LBB2_1:
0xd: {  	[tilespmem:s2], [sflag:$0x1] =	stream.linear.gather [hbm4b:s3+s2], $0x2000, $0x38;
	[tilespmem:$0x4080] =	vst v63  }
0xe: {  	_ = 	snop  }
0xf: {  	[tilespmem:s7], [sflag:$0x2] =	stream.linear.gather [hbm4b:s4+s2], $0x2000, $0x38;
	[tilespmem:$0x4080] =	vst v63  }
0x10: {  	_ =	swait.ge [sflag:s8], $0x2000  }
0x11: {  	[sflag:s8] =	ssyncset.done $0x0  }
0x12: {  	[sflag:s8] =	ssyncadd.s32 $0xFFFFE000  }
0x13: {  	_ =	swait.ge [sflag:s9], $0x2000  }
0x14: {  	[sflag:s9] =	ssyncset.done $0x0  }
0x15: {  	s13 =	simm.s32 $0x0;
	[sflag:s9] =	ssyncadd.s32 $0xFFFFE000  }
0x16: {  	v1 =	vld [tilespmem:s13+$0x2020]  }
0x17: {  	v2 =	vld [tilespmem:s13+$0x20]  }
0x18: {  	v3 =	vld [tilespmem:s13+$0x30]  }
0x19: {  	v5 =	vld [tilespmem:s13+$0x10]  }
0x1a: {  	s31 =	simm.s32 $0x40;
	v6 =	vld [tilespmem:s13+$0x2000]  }
0x1b: {  	v22 =	vld [tilespmem:s31+$0x2030];
	_ =	sdelay $0x1  }
0x1c: {  	v4 =	vsub.f32 $1.000000000e+00, v1  }
0x1d: {  	vm3 =	vgt.f32 v2, $0.0e+00;
	vm0 =	vge.f32 v3, $0.0e+00;
	vm1 =	vge.f32 v5, $0.0e+00  }
0x1e: {  	vm5 =	vgt.f32 v5, $0.0e+00;
	v10 =	vsub.f32 $1.000000000e+00, v6;
	vm6 =	vgt.f32 v3, $0.0e+00  }
0x1f: {  	v25 =	vsub.f32 $1.000000000e+00, v22;
	v5 =	vsel vm5, $0x3F800000, v0;
	v1 =	vsel vm3, v1, v4;
	v4 =	vld [tilespmem:s13+$0x0]  }
0x20: {  	v8 =	vld [tilespmem:s13+$0x2010];
	v11 =	vsel vm0, $0x3F800000, v0;
	v13 =	vsel vm1, $0x3F800000, v0;
	v7 =	vand.u32 $0x7FFFFF, v1  }
0x21: {  	v16 =	vsel vm6, $0x3F800000, v0;
	v1 =	vshra.s32 v1, $0x17;
	v7 =	vor.u32 $0x3F800000, v7  }
0x22: {  	v17 =	vsel vm3, $0x3F800000, v0;
	v1 =	vadd.s32 $0xFFFFFF81, v1;
	v9 =	vmul.f32 $5.000000000e-01, v7  }
0x23: {  	v16 =	vadd.f32 v16, v17;
	vm4 =	vgt.f32 v7, $1.414213540e+00;
	v1 =	vcvt.s32.f32 v1  }
0x24: {  	v18 =	vsel vm4, $0x3F800000, v0;
	v7 =	vsel vm4, v9, v7;
	vm7 =	vgt.f32 v4, $0.0e+00  }
0x25: {  	v9 =	vsub.f32 $1.000000000e+00, v8;
	vm2 =	vge.f32 v4, $0.0e+00;
	v1 =	vadd.f32 v1, v18  }
0x26: {  	vm4 =	vmmov vm1;
	vm1 =	vmmov vm0;
	v6 =	vsel vm7, v6, v10  }
0x27: {  	v3 =	vadd.f32 $-1.000000000e+00, v7;
	v4 =	vand.u32 $0x7FFFFF, v6;
	v8 =	vsel vm5, v8, v9  }
0x28: {  	v9 =	vsel vm2, $0x3F800000, v0;
	v6 =	vshra.s32 v6, $0x17;
	v1 =	vmul.f32 $6.931471820e-01, v1  }
0x29: {  	v7 =	vld [tilespmem:s13+$0x2030];
	v10 =	vmul.f32 $1.722459500e-01, v3;
	v4 =	vor.u32 $0x3F800000, v4;
	v12 =	vand.u32 $0x7FFFFF, v8  }
0x2a: {  	v8 =	vshra.s32 v8, $0x17;
	v9 =	vadd.f32 v13, v9;
	v13 =	vsel vm7, $0x3F800000, v0  }
0x2b: {  	vm5 =	vgt.f32 v4, $1.414213540e+00;
	v12 =	vor.u32 $0x3F800000, v12;
	v15 =	vmul.f32 $5.000000000e-01, v4  }
0x2c: {  	v8 =	vadd.s32 $0xFFFFFF81, v8;
	v13 =	vadd.f32 v5, v13;
	v10 =	vadd.f32 $-2.740800380e-01, v10  }
0x2d: {  	vm8 =	vgt.f32 v12, $1.414213540e+00;
	v19 =	vmul.f32 $5.000000000e-01, v12;
	v8 =	vcvt.s32.f32 v8  }
0x2e: {  	v14 =	vsub.f32 $1.000000000e+00, v7;
	v4 =	vsel vm5, v15, v4;
	v10 =	vmul.f32 v10, v3  }
0x2f: {  	v13 =	vadd.f32 v16, v13;
	v12 =	vsel vm8, v19, v12;
	v17 =	vadd.f32 $-1.000000000e+00, v4  }
0x30: {  	v4 =	vadd.s32 $0xFFFFFF81, v6;
	v7 =	vsel vm6, v7, v14;
	v10 =	vadd.f32 $3.380056320e-01, v10  }
0x31: {  	v14 =	vsel vm8, $0x3F800000, v0;
	v6 =	vadd.f32 $-1.000000000e+00, v12;
	v4 =	vcvt.s32.f32 v4  }
0x32: {  	vm6 =	vge.f32 v2, $0.0e+00;
	v15 =	vand.u32 $0x7FFFFF, v7;
	v10 =	vmul.f32 v10, v3  }
0x33: {  	v7 =	vshra.s32 v7, $0x17;
	v12 =	vor.u32 $0x3F800000, v15;
	v15 =	vsel vm5, $0x3F800000, v0  }
0x34: {  	v4 =	vadd.f32 v4, v15;
	v15 =	vmul.f32 $5.000000000e-01, v12;
	v10 =	vadd.f32 $-4.991101030e-01, v10  }
0x35: {  	v19 =	vmul.f32 $1.722459500e-01, v6;
	v2 =	vadd.s32 $0xFFFFFF81, v7;
	vm3 =	vgt.f32 v12, $1.414213540e+00  }
0x36: {  	v7 =	vadd.f32 v8, v14;
	v5 =	vsel vm3, v15, v12;
	v10 =	vmul.f32 v10, v3  }
0x37: {  	vm5 =	vmmov vm2;
	v14 =	vld [tilespmem:s31+$0x10];
	v2 =	vcvt.s32.f32 v2;
	v5 =	vadd.f32 $-1.000000000e+00, v5  }
0x38: {  	v19 =	vadd.f32 $-2.740800380e-01, v19;
	v18 =	vsel vm3, $0x3F800000, v0;
	v10 =	vadd.f32 $9.998871080e-01, v10  }
0x39: {  	v15 =	vmul.f32 $6.931471820e-01, v4;
	v2 =	vadd.f32 v2, v18;
	v8 =	vmul.f32 $1.722459500e-01, v5  }
0x3a: {  	v4 =	vadd.f32 v13, v0;
	v12 =	vmul.f32 v19, v6;
	v3 =	vmul.f32 v10, v3  }
0x3b: {  	v13 =	vld [tilespmem:s31+$0x30];
	v19 =	vmul.f32 $6.931471820e-01, v7;
	v20 =	vmul.f32 $6.931471820e-01, v2;
	v8 =	vadd.f32 $-2.740800380e-01, v8  }
0x3c: {  	v7 =	vld [tilespmem:s31+$0x0];
	vm2 =	vge.f32 v14, $0.0e+00;
	v10 =	vmul.f32 $1.722459500e-01, v17;
	v3 =	vadd.f32 $-5.448872800e-06, v3  }
0x3d: {  	vm7 =	vgt.f32 v14, $0.0e+00;
	v12 =	vadd.f32 $3.380056320e-01, v12;
	v8 =	vmul.f32 v8, v5  }
0x3e: {  	v10 =	vadd.f32 $-2.740800380e-01, v10;
	v1 =	vadd.f32 v3, v1;
	v3 =	vsel vm6, $0x3F800000, v0  }
0x3f: {  	v14 =	vsel vm7, $0x3F800000, v0;
	v12 =	vmul.f32 v12, v6;
	v3 =	vadd.f32 v11, v3  }
0x40: {  	v16 =	vld [tilespmem:s31+$0x2020];
	vm0 =	vge.f32 v13, $0.0e+00;
	v8 =	vadd.f32 $3.380056320e-01, v8;
	v10 =	vmul.f32 v10, v17  }
0x41: {  	vm9 =	vgt.f32 v13, $0.0e+00;
	vm8 =	vgt.f32 v7, $0.0e+00;
	v11 =	vld [tilespmem:s31+$0x20];
	v3 =	vadd.f32 v3, v9  }
0x42: {  	v8 =	vmul.f32 v8, v5;
	v9 =	vadd.f32 $3.380056320e-01, v10;
	v10 =	vadd.f32 $-4.991101030e-01, v12;
	v12 =	vld [tilespmem:s31+$0x2000]  }
0x43: {  	vm3 =	vge.f32 v7, $0.0e+00;
	v22 =	vsel vm9, v22, v25;
	v1 =	vsub.f32 $0.0e+00, v1  }
0x44: {  	v24 =	vsel vm3, $0x3F800000, v0;
	v27 =	vand.u32 $0x7FFFFF, v22;
	v29 =	vadd.f32 $-4.991101030e-01, v8  }
0x45: {  	v1 =	vnsel vm6, $0x0, v1;
	v2 =	vmul.f32 v9, v17;
	v9 =	vsub.f32 $1.000000000e+00, v16  }
0x46: {  	v10 =	vmul.f32 v10, v6;
	v59 =	vmul.f32 v29, v5;
	vm6 =	vgt.f32 v11, $0.0e+00  }
0x47: {  	v18 =	vld [tilespmem:s31+$0x2010];
	v9 =	vsel vm6, v16, v9;
	v13 =	vadd.f32 $-4.991101030e-01, v2;
	v16 =	vsub.f32 $1.000000000e+00, v12  }
0x48: {  	v2 =	vadd.f32 v3, v0;
	v10 =	vadd.f32 $9.998871080e-01, v10;
	v3 =	vand.u32 $0x7FFFFF, v9  }
0x49: {  	v21 =	vshra.s32 v9, $0x17;
	v9 =	vsel vm8, v12, v16;
	v12 =	vor.u32 $0x3F800000, v3  }
0x4a: {  	v53 =	vsel vm6, $0x3F800000, v0;
	v7 =	vmul.f32 v13, v17;
	v23 =	vmul.f32 $5.000000000e-01, v12  }
0x4b: {  	v6 =	vmul.f32 v10, v6;
	v3 =	vsel vm0, $0x3F800000, v0;
	vm10 =	vgt.f32 v12, $1.414213540e+00  }
0x4c: {  	v16 =	vsub.f32 $1.000000000e+00, v18;
	v7 =	vadd.f32 $9.998871080e-01, v7;
	v12 =	vsel vm10, v23, v12  }
0x4d: {  	v13 =	vand.u32 $0x7FFFFF, v9;
	v6 =	vadd.f32 $-5.448872800e-06, v6;
	v12 =	vadd.f32 $-1.000000000e+00, v12  }
0x4e: {  	v28 =	vshra.s32 v9, $0x17;
	v13 =	vor.u32 $0x3F800000, v13;
	v10 =	vsel vm7, v18, v16  }
0x4f: {  	v18 =	vsel vm9, $0x3F800000, v0;
	v55 =	vsel vm10, $0x3F800000, v0;
	v51 =	vmul.f32 $1.722459500e-01, v12  }
0x50: {  	vm7 =	vgt.f32 v13, $1.414213540e+00;
	v7 =	vmul.f32 v7, v17;
	v16 =	vand.u32 $0x7FFFFF, v10  }
0x51: {  	v17 =	vsel vm2, $0x3F800000, v0;
	v50 =	vmul.f32 $5.000000000e-01, v13;
	v23 =	vadd.f32 $-2.740800380e-01, v51  }
0x52: {  	v10 =	vshra.s32 v10, $0x17;
	v18 =	vadd.f32 v18, v53;
	v6 =	vadd.f32 v6, v19  }
0x53: {  	v16 =	vor.u32 $0x3F800000, v16;
	v52 =	vadd.s32 $0xFFFFFF81, v10;
	v23 =	vmul.f32 v23, v12  }
0x54: {  	v58 =	vsel vm7, $0x3F800000, v0;
	vm11 =	vgt.f32 v16, $1.414213540e+00;
	v26 =	vadd.f32 $-5.448872800e-06, v7  }
0x55: {  	v13 =	vsel vm7, v50, v13;
	v7 =	vadd.f32 v17, v24;
	v23 =	vadd.f32 $3.380056320e-01, v23  }
0x56: {  	v17 =	vsel vm8, $0x3F800000, v0;
	v54 =	vmul.f32 $5.000000000e-01, v16;
	v56 =	vsub.f32 $0.0e+00, v6  }
0x57: {  	vm7 =	vge.f32 v11, $0.0e+00;
	v8 =	vadd.f32 $-1.000000000e+00, v13;
	v19 =	vmul.f32 v23, v12  }
0x58: {  	v10 =	vsel vm11, $0x3F800000, v0;
	v14 =	vadd.f32 v14, v17;
	v15 =	vadd.f32 v26, v15  }
0x59: {  	v9 =	vsel vm11, v54, v16;
	v16 =	vadd.s32 $0xFFFFFF81, v21;
	v6 =	vadd.f32 $-4.991101030e-01, v19  }
0x5a: {  	v9 =	vadd.f32 $-1.000000000e+00, v9;
	v61 =	vcvt.s32.f32 v16;
	v16 =	vcvt.s32.f32 v52  }
0x5b: {  	v63 =	vadd.f32 v18, v14;
	v14 =	vnsel vm4, $0x0, v56;
	v6 =	vmul.f32 v6, v12  }
0x5c: {  	v15 =	vsub.f32 $0.0e+00, v15;
	v57 =	vmul.f32 $1.722459500e-01, v9;
	v19 =	vor.u32 $0x3F800000, v27  }
0x5d: {  	v62 =	vadd.f32 v61, v55;
	v60 =	vmul.f32 $5.000000000e-01, v19;
	v6 =	vadd.f32 $9.998871080e-01, v6  }
0x5e: {  	v4 =	vadd.f32 v63, v4;
	v13 =	vnsel vm5, $0x0, v15;
	vm6 =	vgt.f32 v19, $1.414213540e+00  }
0x5f: {  	v15 =	vadd.s32 $0xFFFFFF81, v28;
	v17 =	vsel vm6, v60, v19;
	v12 =	vmul.f32 v6, v12  }
0x60: {  	v15 =	vcvt.s32.f32 v15;
	v6 =	vadd.f32 $-1.000000000e+00, v17;
	v17 =	vadd.f32 $9.998871080e-01, v59  }
0x61: {  	v23 =	vmul.f32 $6.931471820e-01, v62;
	v19 =	vadd.f32 $-2.740800380e-01, v57;
	v12 =	vadd.f32 $-5.448872800e-06, v12  }
0x62: {  	v14 =	vadd.f32 v14, v13;
	v26 =	vadd.f32 v15, v58;
	v5 =	vmul.f32 v17, v5  }
0x63: {  	v15 =	vmul.f32 $1.722459500e-01, v8;
	v19 =	vmul.f32 v19, v9;
	v12 =	vadd.f32 v12, v23  }
0x64: {  	v11 =	vmul.f32 $6.931471820e-01, v26;
	v17 =	vshra.s32 v22, $0x17;
	v5 =	vadd.f32 $-5.448872800e-06, v5  }
0x65: {  	v18 =	vadd.f32 $3.380056320e-01, v19;
	v19 =	vadd.s32 $0xFFFFFF81, v17;
	v17 =	vsub.f32 $0.0e+00, v12  }
0x66: {  	s13 =	simm.s32 $0x200;
	v12 =	vsel vm7, $0x3F800000, v0;
	v13 =	vadd.f32 v5, v20;
	v5 =	vimm.f32 $0.0e+00  }
.LBB2_2:
0x67: {  	v10 =	vadd.f32 v16, v10;
	v16 =	vcvt.s32.f32 v19  }
0x68: {  	s14 =	sshra.s32 s13, $0x2;
	p0 =	sne.s32 s13, $0x7F00;
	s13 =	sadd.s32 $0x100, s13;
	v19 =	vmul.f32 $1.722459500e-01, v6;
	vm4 =	vmmov vm2;
	vm5 =	vmmov vm3  }
0x69: {  	v3 =	vadd.f32 v3, v12;
	v20 =	vld [tilespmem:s14+$0x30];
	v17 =	vnsel vm7, $0x0, v17;
	v13 =	vsub.f32 $0.0e+00, v13  }
0x6a: {  	v15 =	vadd.f32 $-2.740800380e-01, v15;
	v21 =	vld [tilespmem:s14+$0x10];
	v19 =	vadd.f32 $-2.740800380e-01, v19  }
0x6b: {  	v18 =	vmul.f32 v18, v9;
	v22 =	vmul.f32 $6.931471820e-01, v10;
	v12 =	vld [tilespmem:s14+$0x20];
	v10 =	vnsel vm1, $0x0, v13  }
0x6c: {  	v3 =	vadd.f32 v3, v7;
	v13 =	vmul.f32 v15, v8;
	v15 =	vsel vm6, $0x3F800000, v0;
	v23 =	vld [tilespmem:s14+$0x2020]  }
0x6d: {  	v15 =	vadd.f32 v16, v15;
	v16 =	vmul.f32 v19, v6;
	v10 =	vadd.f32 v10, v1;
	v1 =	vmovc v17;
	v7 =	vld [tilespmem:s14+$0x2030]  }
0x6e: {  	v18 =	vadd.f32 $-4.991101030e-01, v18;
	vm1 =	vmmov vm0;
	v19 =	vadd.f32 $3.380056320e-01, v13;
	v17 =	vld [tilespmem:s14+$0x0]  }
0x6f: {  	vm0 =	vge.f32 v20, $0.0e+00;
	v13 =	vmul.f32 $6.931471820e-01, v15;
	v10 =	vadd.f32 v10, v14;
	v24 =	vld [tilespmem:s14+$0x2000]  }
0x70: {  	vm2 =	vge.f32 v21, $0.0e+00;
	vm10 =	vgt.f32 v21, $0.0e+00;
	v15 =	vmul.f32 v19, v8;
	v14 =	vld [tilespmem:s14+$0x2010]  }
0x71: {  	v19 =	vsel vm10, $0x3F800000, v0;
	v5 =	vadd.f32 v10, v5;
	v21 =	vsub.f32 $1.000000000e+00, v23  }
0x72: {  	vm9 =	vgt.f32 v20, $0.0e+00;
	vm6 =	vgt.f32 v12, $0.0e+00;
	v10 =	vmul.f32 v18, v9  }
0x73: {  	v15 =	vadd.f32 $-4.991101030e-01, v15;
	vm8 =	vgt.f32 v17, $0.0e+00;
	v18 =	vsel vm6, v23, v21  }
0x74: {  	v2 =	vadd.f32 v3, v2;
	v20 =	vsub.f32 $1.000000000e+00, v24;
	v21 =	vshra.s32 v18, $0x17  }
0x75: {  	vm3 =	vge.f32 v17, $0.0e+00;
	v15 =	vmul.f32 v15, v8;
	v3 =	vand.u32 $0x7FFFFF, v18  }
0x76: {  	v18 =	vor.u32 $0x3F800000, v3;
	v3 =	vsel vm0, $0x3F800000, v0;
	v17 =	vsel vm8, v24, v20  }
0x77: {  	v10 =	vadd.f32 $9.998871080e-01, v10;
	v23 =	vsub.f32 $1.000000000e+00, v14;
	v20 =	vand.u32 $0x7FFFFF, v17  }
0x78: {  	v15 =	vadd.f32 $9.998871080e-01, v15;
	v24 =	vmul.f32 $5.000000000e-01, v18;
	v20 =	vor.u32 $0x3F800000, v20  }
0x79: {  	v25 =	vsel vm3, $0x3F800000, v0;
	v9 =	vmul.f32 v10, v9;
	vm11 =	vgt.f32 v18, $1.414213540e+00  }
0x7a: {  	v10 =	vsel vm10, v14, v23;
	v8 =	vmul.f32 v15, v8;
	vm7 =	vgt.f32 v20, $1.414213540e+00  }
0x7b: {  	v15 =	vsel vm2, $0x3F800000, v0;
	v23 =	vsel vm9, $0x3F800000, v0;
	v14 =	vand.u32 $0x7FFFFF, v10  }
0x7c: {  	v18 =	vsel vm11, v24, v18;
	v24 =	vsub.f32 $1.000000000e+00, v7;
	v14 =	vor.u32 $0x3F800000, v14  }
0x7d: {  	v9 =	vadd.f32 $-5.448872800e-06, v9;
	v26 =	vmul.f32 $5.000000000e-01, v20;
	v18 =	vadd.f32 $-1.000000000e+00, v18  }
0x7e: {  	v10 =	vshra.s32 v10, $0x17;
	v8 =	vadd.f32 $-5.448872800e-06, v8;
	vm10 =	vgt.f32 v14, $1.414213540e+00  }
0x7f: {  	v24 =	vsel vm9, v7, v24;
	v20 =	vsel vm7, v26, v20;
	v26 =	vmul.f32 $1.722459500e-01, v18  }
0x80: {  	v16 =	vadd.f32 $3.380056320e-01, v16;
	v27 =	vadd.s32 $0xFFFFFF81, v10;
	v10 =	vsel vm10, $0x3F800000, v0  }
0x81: {  	v7 =	vadd.f32 v15, v25;
	v28 =	vand.u32 $0x7FFFFF, v24;
	v26 =	vadd.f32 $-2.740800380e-01, v26  }
0x82: {  	v25 =	vsel vm8, $0x3F800000, v0;
	v15 =	vsel vm6, $0x3F800000, v0;
	v8 =	vadd.f32 v8, v11  }
0x83: {  	v16 =	vmul.f32 v16, v6;
	v11 =	vsel vm11, $0x3F800000, v0;
	v26 =	vmul.f32 v26, v18  }
0x84: {  	v29 =	vmul.f32 $5.000000000e-01, v14;
	v23 =	vadd.f32 v23, v15;
	v15 =	vsub.f32 $0.0e+00, v8  }
0x85: {  	v16 =	vadd.f32 $-4.991101030e-01, v16;
	v17 =	vshra.s32 v17, $0x17;
	v26 =	vadd.f32 $3.380056320e-01, v26  }
0x86: {  	v21 =	vadd.s32 $0xFFFFFF81, v21;
	v22 =	vadd.f32 v9, v22;
	v14 =	vsel vm10, v29, v14  }
0x87: {  	v8 =	vadd.f32 $-1.000000000e+00, v20;
	v20 =	vmul.f32 v26, v18;
	v26 =	vnsel vm5, $0x0, v15  }
0x88: {  	v9 =	vadd.f32 $-1.000000000e+00, v14;
	v14 =	vsub.f32 $0.0e+00, v22;
	v15 =	vadd.s32 $0xFFFFFF81, v17  }
0x89: {  	v15 =	vcvt.s32.f32 v15;
	v17 =	vadd.f32 $-4.991101030e-01, v20;
	v20 =	vor.u32 $0x3F800000, v28  }
0x8a: {  	v29 =	vmul.f32 v16, v6;
	v22 =	vsel vm7, $0x3F800000, v0;
	v28 =	vmul.f32 $1.722459500e-01, v9  }
0x8b: {  	v22 =	vadd.f32 v15, v22;
	v16 =	vmul.f32 v17, v18;
	v17 =	vmul.f32 $5.000000000e-01, v20  }
0x8c: {  	v19 =	vadd.f32 v19, v25;
	v15 =	vmul.f32 $1.722459500e-01, v8;
	vm6 =	vgt.f32 v20, $1.414213540e+00  }
0x8d: {  	v21 =	vcvt.s32.f32 v21;
	v25 =	vadd.f32 $9.998871080e-01, v16;
	v17 =	vsel vm6, v17, v20  }
0x8e: {  	v16 =	vcvt.s32.f32 v27;
	v20 =	vadd.f32 $-2.740800380e-01, v28;
	v17 =	vadd.f32 $-1.000000000e+00, v17  }
0x8f: {  	v11 =	vadd.f32 v21, v11;
	v21 =	vadd.f32 $9.998871080e-01, v29;
	v18 =	vmul.f32 v25, v18  }
0x90: {  	v23 =	vadd.f32 v23, v19;
	v14 =	vnsel vm4, $0x0, v14;
	v20 =	vmul.f32 v20, v9  }
.Ltmp0:
0x91: {  	v11 =	vmul.f32 $6.931471820e-01, v11;
	v21 =	vmul.f32 v21, v6;
	v6 =	vmovc v17;
	v19 =	vadd.f32 $-5.448872800e-06, v18;
	(pc) =	sbr.rel @p0 .LBB2_2-.Ltmp0, $4  }
0x92: {  	v14 =	vadd.f32 v14, v26;
	v17 =	vshra.s32 v24, $0x17;
	v18 =	vadd.f32 $3.380056320e-01, v20  }
0x93: {  	vm7 =	vge.f32 v12, $0.0e+00;
	v20 =	vadd.f32 $-5.448872800e-06, v21;
	v12 =	vadd.f32 v19, v11  }
0x94: {  	v4 =	vadd.f32 v23, v4;
	v11 =	vmul.f32 $6.931471820e-01, v22;
	v19 =	vadd.s32 $0xFFFFFF81, v17  }
0x95: {  	v13 =	vadd.f32 v20, v13;
	v17 =	vsub.f32 $0.0e+00, v12;
	v12 =	vsel vm7, $0x3F800000, v0  }
0x96: {  	v20 =	vmul.f32 $1.722459500e-01, v6;
	_ =	sdelay $0x1  }
0x97: {  	v15 =	vadd.f32 $-2.740800380e-01, v15;
	v20 =	vadd.f32 $-2.740800380e-01, v20;
	_ =	sdelay $0x1  }
0x98: {  	v15 =	vmul.f32 v15, v8;
	v20 =	vmul.f32 v20, v6;
	_ =	sdelay $0x1  }
0x99: {  	v15 =	vadd.f32 $3.380056320e-01, v15;
	v20 =	vadd.f32 $3.380056320e-01, v20  }
0x9a: {  	v18 =	vmul.f32 v18, v9  }
0x9b: {  	v15 =	vmul.f32 v15, v8;
	v20 =	vmul.f32 v20, v6  }
0x9c: {  	v18 =	vadd.f32 $-4.991101030e-01, v18  }
0x9d: {  	v15 =	vadd.f32 $-4.991101030e-01, v15;
	v20 =	vadd.f32 $-4.991101030e-01, v20  }
0x9e: {  	v18 =	vmul.f32 v18, v9  }
0x9f: {  	v15 =	vmul.f32 v15, v8;
	v20 =	vmul.f32 v20, v6  }
0xa0: {  	v18 =	vadd.f32 $9.998871080e-01, v18  }
0xa1: {  	v19 =	vcvt.s32.f32 v19;
	v15 =	vadd.f32 $9.998871080e-01, v15;
	v20 =	vadd.f32 $9.998871080e-01, v20  }
0xa2: {  	v10 =	vadd.f32 v16, v10;
	v58 =	vsel vm6, $0x3F800000, v0;
	v59 =	vmul.f32 v18, v9  }
0xa3: {  	v57 =	vmul.f32 v15, v8;
	v15 =	vadd.f32 v19, v58;
	v60 =	vmul.f32 v20, v6  }
0xa4: {  	v13 =	vsub.f32 $0.0e+00, v13;
	v10 =	vmul.f32 $6.931471820e-01, v10;
	v9 =	vadd.f32 $-5.448872800e-06, v59  }
0xa5: {  	v8 =	vadd.f32 $-5.448872800e-06, v57;
	v15 =	vmul.f32 $6.931471820e-01, v15;
	v6 =	vadd.f32 $-5.448872800e-06, v60  }
0xa6: {  	vm14 =	vmmov vm2;
	v9 =	vadd.f32 v9, v10  }
0xa7: {  	v61 =	vnsel vm1, $0x0, v13;
	v8 =	vadd.f32 v8, v11;
	v6 =	vadd.f32 v6, v15  }
0xa8: {  	vm15 =	vmmov vm3;
	v1 =	vadd.f32 v61, v1;
	v9 =	vsub.f32 $0.0e+00, v9  }
0xa9: {  	vm0 =	vmmov vm0;
	v8 =	vsub.f32 $0.0e+00, v8;
	v6 =	vsub.f32 $0.0e+00, v6  }
0xaa: {  	v3 =	vadd.f32 v3, v12;
	v62 =	vnsel vm7, $0x0, v17;
	v1 =	vadd.f32 v1, v14  }
0xab: {  	v9 =	vnsel vm14, $0x0, v9;
	v8 =	vnsel vm15, $0x0, v8;
	v6 =	vnsel vm0, $0x0, v6  }
0xac: {  	v8 =	vadd.f32 v9, v8;
	v6 =	vadd.f32 v6, v62  }
0xad: {  	v3 =	vadd.f32 v3, v7  }
0xae: {  	v1 =	vadd.f32 v1, v5;
	v63 =	vadd.f32 v6, v8  }
0xaf: {  	v2 =	vadd.f32 v3, v2  }
0xb0: {  	[tilespmem:$0x4020] =	vst v4;
	s12 =	sadd.s32 $0x1, s12;
	v1 =	vadd.f32 v63, v1  }
0xb1: {  	p0 =	sne.s32 s12, s6;
	[tilespmem:$0x4010] =	vst v2  }
.Ltmp1:
0xb2: {  	[tilespmem:$0x4000] =	vst v1;
	(pc) =	sbr.rel @p0 .LBB2_1-.Ltmp1, $4  }
0xb3: {  	[hbm4b:s5+s2] =	stream.linear.scatter [tilespmem:s10], [sflag:$0x3], $0x80, $0x38;
	[tilespmem:$0x4080] =	vst v63  }
0xb4: {  	_ =	swait.ge [sflag:s11], $0x80  }
0xb5: {  	[sflag:s11] =	ssyncset.done $0x0  }
0xb6: {  	[sflag:s11] =	ssyncadd.s32 $0xFFFFFF80  }
0xb7: {  	_ =	sfence.sel $0x180000  }
0xb8: {  	[bflag:$0x0] =	sbarrier.arrive $0xFFFF  }
0xb9: {  	p0 =	sne.s32 s1, $0x0;
	_ =	strace $0x90000047  }
0xba: {  	s0 =	sadd.s32 @!p0 $0x100000, s0;
	[bflag:$0x2] =	sbarrier.arrive $0xFFFF  }
0xbb: {  	[sflag:s0] =	ssyncadd.tile.s32 @!p0 $0x1;
	_ =	shalt  }
.Lfunc_end2:
_tile_overlayer_lowered:
.L_overlay_start_2:
0xbc: {  	(tag) =	ssettag $0x2  }
0xbd: {  	s0 =	rddreg [dreg:$0x0];
	s2 =	stileid.u32  }
0xbe: {  	s1 =	rddreg [dreg:$0x1];
	p0 =	sne.s32 s2, $0x0  }
0xbf: {  	s3 =	rddreg [dreg:$0x2];
	[bflag:$0x3] =	sbarrier.arrive $0xFFFF;
	s2 =	simm.s32 @!p0 $0x1C03  }
0xc0: {  	[timem:s3], [sflag:s2] =	dma.local @!p0 [hbm:s0], s1  }
0xc1: {  	s0 =	simm.s32 @!p0 $0x3  }
0xc2: {  	_ =	swait.ge @!p0 [sflag:s0], s1  }
0xc3: {  	s1 =	ssub.s32 @!p0 $0x0, s1;
	[sflag:s0] =	ssyncset.done @!p0 $0x0  }
0xc4: {  	[sflag:s0] =	ssyncadd.s32 @!p0 s1  }
0xc5: {  	[bflag:$0x3] =	sbarrier.arrive $0xFFFF  }
0xc6: {  	_ =	shalt  }

</sc_bundles>
